<compile_context>
chip_gen: v7x
topology: tpu7x:2x2x1
jax: 0.10.2.dev20260603
libtpu: 0.0.44.dev20260713+nightly
codegen_flags: <defaults>
</compile_context>

<pallas_src>
import functools

import jax
import jax.numpy as jnp
from jax import lax
from jax.experimental import pallas as pl
from jax.experimental.pallas import tpu as pltpu
from jax.experimental.pallas import tpu_sc as plsc

_N = 10000
_E = 320000
_NC = 2
_NS = 16
_NW = _NC * _NS
_ROWS_PT = 632
_N_ACC = _NS * _ROWS_PT

_B128, _NB128 = 112, 90
_B64, _NB64 = 128, 80
_mesh = plsc.VectorSubcoreMesh(
    core_axis_name="c", subcore_axis_name="s", num_cores=_NC, num_subcores=_NS
)


def _make_edge_scatter(d, batch, nb):

  @functools.partial(
      pl.kernel,
      out_type=jax.ShapeDtypeStruct((_NC, _N_ACC, d), jnp.float32),
      mesh=_mesh,
      scratch_types=[
          pltpu.VMEM((nb, batch), jnp.int32),
          pltpu.VMEM((nb, batch), jnp.int32),
          pltpu.VMEM((2, batch, d), jnp.float32),
          pltpu.VMEM_SHARED((_N_ACC, d), jnp.float32),
          pltpu.SemaphoreType.DMA,
          pltpu.SemaphoreType.DMA,
      ],
      compiler_params=pltpu.CompilerParams(use_tc_tiling_on_sc=False),
  )
  def k(g_hbm, src_hbm, dst_hbm, zero_hbm, out_hbm, src_v, dst_v, rows_v, acc,
        sem0, sem1):
    cid = lax.axis_index("c")
    sid = lax.axis_index("s")
    wid = cid * _NS + sid
    pltpu.sync_copy(src_hbm.at[wid], src_v)
    pltpu.sync_copy(dst_hbm.at[wid], dst_v)
    pltpu.sync_copy(zero_hbm, acc.at[pl.ds(sid * _ROWS_PT, _ROWS_PT)])
    plsc.subcore_barrier()

    pltpu.async_copy(g_hbm.at[src_v.at[0]], rows_v.at[0], sem0)

    def step(i, carry):
      j0 = 2 * i
      j1 = j0 + 1
      pltpu.make_async_copy(g_hbm.at[src_v.at[j0]], rows_v.at[0], sem0).wait()
      pltpu.async_copy(g_hbm.at[src_v.at[j1]], rows_v.at[1], sem1)
      pltpu.sync_copy(rows_v.at[0], acc.at[dst_v.at[j0]], add=True)
      pltpu.make_async_copy(g_hbm.at[src_v.at[j1]], rows_v.at[1], sem1).wait()

      @pl.when(i + 1 < nb // 2)
      def _():
        pltpu.async_copy(g_hbm.at[src_v.at[j0 + 2]], rows_v.at[0], sem0)

      pltpu.sync_copy(rows_v.at[1], acc.at[dst_v.at[j1]], add=True)
      return carry

    lax.fori_loop(0, nb // 2, step, 0)
    plsc.subcore_barrier()
    pltpu.sync_copy(
        acc.at[pl.ds(sid * _ROWS_PT, _ROWS_PT)],
        out_hbm.at[cid, pl.ds(sid * _ROWS_PT, _ROWS_PT)],
    )

  return k


_edge_scatter_128 = _make_edge_scatter(128, _B128, _NB128)
_edge_scatter_64 = _make_edge_scatter(64, _B64, _NB64)

def _make_edge_scatter_spmem(d, batch, nb):

  @functools.partial(
      pl.kernel,
      out_type=jax.ShapeDtypeStruct((_NC, _N_ACC, d), jnp.float32),
      mesh=_mesh,
      scratch_types=[
          pltpu.VMEM((nb, batch), jnp.int32),
          pltpu.VMEM((nb, batch), jnp.int32),
          pltpu.VMEM((2, batch, d), jnp.float32),
          pltpu.VMEM_SHARED((_N_ACC, d), jnp.float32),
          pltpu.VMEM_SHARED((_N_ACC, d), jnp.float32),
          pltpu.SemaphoreType.DMA,
          pltpu.SemaphoreType.DMA,
      ],
      compiler_params=pltpu.CompilerParams(use_tc_tiling_on_sc=False),
  )
  def k(g_hbm, src_hbm, dst_hbm, zero_hbm, out_hbm, src_v, dst_v, rows_v,
        g_sh, acc, sem0, sem1):
    cid = lax.axis_index("c")
    sid = lax.axis_index("s")
    wid = cid * _NS + sid
    pltpu.sync_copy(src_hbm.at[wid], src_v)
    pltpu.sync_copy(dst_hbm.at[wid], dst_v)
    pltpu.sync_copy(g_hbm.at[pl.ds(sid * _ROWS_PT, _ROWS_PT)],
                    g_sh.at[pl.ds(sid * _ROWS_PT, _ROWS_PT)])
    pltpu.sync_copy(zero_hbm, acc.at[pl.ds(sid * _ROWS_PT, _ROWS_PT)])
    plsc.subcore_barrier()

    pltpu.async_copy(g_sh.at[src_v.at[0]], rows_v.at[0], sem0)

    def step(i, carry):
      j0 = 2 * i
      j1 = j0 + 1
      pltpu.make_async_copy(g_sh.at[src_v.at[j0]], rows_v.at[0], sem0).wait()
      pltpu.async_copy(g_sh.at[src_v.at[j1]], rows_v.at[1], sem1)
      pltpu.sync_copy(rows_v.at[0], acc.at[dst_v.at[j0]], add=True)
      pltpu.make_async_copy(g_sh.at[src_v.at[j1]], rows_v.at[1], sem1).wait()

      @pl.when(i + 1 < nb // 2)
      def _():
        pltpu.async_copy(g_sh.at[src_v.at[j0 + 2]], rows_v.at[0], sem0)

      pltpu.sync_copy(rows_v.at[1], acc.at[dst_v.at[j1]], add=True)
      return carry

    lax.fori_loop(0, nb // 2, step, 0)
    plsc.subcore_barrier()
    pltpu.sync_copy(
        acc.at[pl.ds(sid * _ROWS_PT, _ROWS_PT)],
        out_hbm.at[cid, pl.ds(sid * _ROWS_PT, _ROWS_PT)],
    )

  return k


_edge_scatter_64s = _make_edge_scatter_spmem(64, _B64, _NB64)

def _make_edge_scatter_spmem2(nb, batch):

  @functools.partial(
      pl.kernel,
      out_type=jax.ShapeDtypeStruct((_NC, 2, _N_ACC, 64), jnp.float32),
      mesh=_mesh,
      scratch_types=[
          pltpu.VMEM((nb, batch), jnp.int32),
          pltpu.VMEM((nb, batch), jnp.int32),
          pltpu.VMEM((2, batch, 64), jnp.float32),
          pltpu.VMEM_SHARED((_N_ACC, 64), jnp.float32),
          pltpu.VMEM_SHARED((_N_ACC, 64), jnp.float32),
          pltpu.SemaphoreType.DMA,
          pltpu.SemaphoreType.DMA,
      ],
      compiler_params=pltpu.CompilerParams(use_tc_tiling_on_sc=False),
  )
  def k(g_hbm, src_hbm, dst_hbm, zero_hbm, out_hbm, src_v, dst_v, rows_v,
        g_sh, acc, sem0, sem1):
    cid = lax.axis_index("c")
    sid = lax.axis_index("s")
    wid = cid * _NS + sid
    pltpu.sync_copy(src_hbm.at[wid], src_v)
    pltpu.sync_copy(dst_hbm.at[wid], dst_v)
    for p in range(2):
      pltpu.sync_copy(g_hbm.at[p, pl.ds(sid * _ROWS_PT, _ROWS_PT)],
                      g_sh.at[pl.ds(sid * _ROWS_PT, _ROWS_PT)])
      pltpu.sync_copy(zero_hbm, acc.at[pl.ds(sid * _ROWS_PT, _ROWS_PT)])
      plsc.subcore_barrier()

      pltpu.async_copy(g_sh.at[src_v.at[0]], rows_v.at[0], sem0)

      def step(i, carry):
        j0 = 2 * i
        j1 = j0 + 1
        pltpu.make_async_copy(g_sh.at[src_v.at[j0]], rows_v.at[0], sem0).wait()
        pltpu.async_copy(g_sh.at[src_v.at[j1]], rows_v.at[1], sem1)
        pltpu.sync_copy(rows_v.at[0], acc.at[dst_v.at[j0]], add=True)
        pltpu.make_async_copy(g_sh.at[src_v.at[j1]], rows_v.at[1], sem1).wait()

        @pl.when(i + 1 < nb // 2)
        def _():
          pltpu.async_copy(g_sh.at[src_v.at[j0 + 2]], rows_v.at[0], sem0)

        pltpu.sync_copy(rows_v.at[1], acc.at[dst_v.at[j1]], add=True)
        return carry

      lax.fori_loop(0, nb // 2, step, 0)
      plsc.subcore_barrier()
      pltpu.sync_copy(
          acc.at[pl.ds(sid * _ROWS_PT, _ROWS_PT)],
          out_hbm.at[cid, p, pl.ds(sid * _ROWS_PT, _ROWS_PT)],
      )

  return k


_edge_scatter_128s = _make_edge_scatter_spmem2(_NB64, _B64)




@functools.partial(
    pl.kernel,
    out_type=jax.ShapeDtypeStruct((_NC, _N_ACC, 16), jnp.float32),
    mesh=_mesh,
    scratch_types=[
        pltpu.VMEM((_NB64, _B64), jnp.int32),
        pltpu.VMEM((_B64, 16), jnp.float32),
        pltpu.VMEM_SHARED((_N_ACC, 16), jnp.float32),
    ],
    compiler_params=pltpu.CompilerParams(use_tc_tiling_on_sc=False),
)
def _deg_count(dst_hbm, ones_hbm, zero_hbm, out_hbm, dst_v, ones_v, acc):
  cid = lax.axis_index("c")
  sid = lax.axis_index("s")
  wid = cid * _NS + sid
  pltpu.sync_copy(dst_hbm.at[wid], dst_v)
  pltpu.sync_copy(ones_hbm, ones_v)
  pltpu.sync_copy(zero_hbm, acc.at[pl.ds(sid * _ROWS_PT, _ROWS_PT)])
  plsc.subcore_barrier()

  def step(j, carry):
    pltpu.sync_copy(ones_v, acc.at[dst_v.at[j]], add=True)
    return carry

  lax.fori_loop(0, _NB64, step, 0)
  plsc.subcore_barrier()
  pltpu.sync_copy(
      acc.at[pl.ds(sid * _ROWS_PT, _ROWS_PT)],
      out_hbm.at[cid, pl.ds(sid * _ROWS_PT, _ROWS_PT)],
  )


_BN = 2000


def _stage_a_body(degp_ref, x_ref, w1_ref, g1_ref, dinv_ref):
  deg = degp_ref[0, :, 0:1] + degp_ref[1, :, 0:1] + 1.0
  dinv = lax.rsqrt(deg)
  dinv_ref[...] = jnp.broadcast_to(dinv, (_BN, 16))
  p1 = jnp.dot(x_ref[...], w1_ref[...], preferred_element_type=jnp.float32)
  g1_ref[...] = dinv * p1


def _stage_a(degp, x, w1):
  return pl.pallas_call(
      _stage_a_body,
      grid=(_N // _BN,),
      in_specs=[
          pl.BlockSpec((_NC, _BN, 16), lambda i: (0, i, 0)),
          pl.BlockSpec((_BN, 128), lambda i: (i, 0)),
          pl.BlockSpec((128, 128), lambda i: (0, 0)),
      ],
      out_specs=[
          pl.BlockSpec((_BN, 128), lambda i: (i, 0)),
          pl.BlockSpec((_BN, 16), lambda i: (i, 0)),
      ],
      out_shape=[
          jax.ShapeDtypeStruct((_N, 128), jnp.float32),
          jax.ShapeDtypeStruct((_N, 16), jnp.float32),
      ],
  )(degp, x, w1)


def _stage_b_body(s1_ref, g1_ref, dinv_ref, b1_ref, w2_ref, h_ref, g2_ref):
  dinv = dinv_ref[:, 0:1]
  s1 = jnp.concatenate(
      [s1_ref[0, 0] + s1_ref[1, 0], s1_ref[0, 1] + s1_ref[1, 1]], axis=-1)
  h = jnp.maximum(dinv * (s1 + g1_ref[...]) + b1_ref[...], 0.0)
  h_ref[...] = h
  g2_ref[...] = dinv * jnp.dot(h, w2_ref[...], preferred_element_type=jnp.float32)


def _stage_b(s1, g1, dinv, b1, w2):
  return pl.pallas_call(
      _stage_b_body,
      grid=(_N // _BN,),
      in_specs=[
          pl.BlockSpec((_NC, 2, _BN, 64), lambda i: (0, 0, i, 0)),
          pl.BlockSpec((_BN, 128), lambda i: (i, 0)),
          pl.BlockSpec((_BN, 16), lambda i: (i, 0)),
          pl.BlockSpec((1, 128), lambda i: (0, 0)),
          pl.BlockSpec((128, 64), lambda i: (0, 0)),
      ],
      out_specs=[
          pl.BlockSpec((_BN, 128), lambda i: (i, 0)),
          pl.BlockSpec((_BN, 64), lambda i: (i, 0)),
      ],
      out_shape=[
          jax.ShapeDtypeStruct((_N, 128), jnp.float32),
          jax.ShapeDtypeStruct((_N, 64), jnp.float32),
      ],
  )(s1, g1, dinv, b1, w2)


def _stage_c_body(s2_ref, g2_ref, dinv_ref, b2_ref, x_ref, h_ref, wl_ref, bl_ref, out_ref):
  dinv = dinv_ref[:, 0:1]
  h2 = dinv * (s2_ref[0] + s2_ref[1] + g2_ref[...]) + b2_ref[...]
  wl = wl_ref[...]
  logits = (
      jnp.dot(x_ref[...], wl[0:128], preferred_element_type=jnp.float32)
      + jnp.dot(h_ref[...], wl[128:256], preferred_element_type=jnp.float32)
      + jnp.dot(h2, wl[256:320], preferred_element_type=jnp.float32)
      + bl_ref[...]
  )
  m = jnp.max(logits, axis=-1, keepdims=True)
  z = logits - m
  lse = jnp.log(jnp.sum(jnp.exp(z), axis=-1, keepdims=True))
  out_ref[...] = z - lse


def _stage_c(s2, g2, dinv, b2, x, h, wl, bl):
  return pl.pallas_call(
      _stage_c_body,
      grid=(_N // _BN,),
      in_specs=[
          pl.BlockSpec((_NC, _BN, 64), lambda i: (0, i, 0)),
          pl.BlockSpec((_BN, 64), lambda i: (i, 0)),
          pl.BlockSpec((_BN, 16), lambda i: (i, 0)),
          pl.BlockSpec((1, 64), lambda i: (0, 0)),
          pl.BlockSpec((_BN, 128), lambda i: (i, 0)),
          pl.BlockSpec((_BN, 128), lambda i: (i, 0)),
          pl.BlockSpec((320, 64), lambda i: (0, 0)),
          pl.BlockSpec((1, 64), lambda i: (0, 0)),
      ],
      out_specs=pl.BlockSpec((_BN, 64), lambda i: (i, 0)),
      out_shape=jax.ShapeDtypeStruct((_N, 64), jnp.float32),
  )(s2, g2, dinv, b2, x, h, wl, bl)


def _pad_edges(v, nb, batch, fill):
  ept = nb * batch
  pad = _NW * ept - _E
  return jnp.concatenate([v, jnp.full((pad,), fill, jnp.int32)]).reshape(_NW, nb, batch)


def kernel(x, edge_index, W1, b1, W2, b2, Wl, bl):
  src = edge_index[0]
  dst = edge_index[1]
  srcb64 = _pad_edges(src, _NB64, _B64, 0)
  dstb64 = _pad_edges(dst, _NB64, _B64, _N)
  zeros64 = jnp.zeros((_ROWS_PT, 64), jnp.float32)
  zeros16 = jnp.zeros((_ROWS_PT, 16), jnp.float32)
  ones16 = jnp.ones((_B64, 16), jnp.float32)

  degp = _deg_count(dstb64, ones16, zeros16)[:, :_N]
  g1, dinv = _stage_a(degp, x, W1)
  g1p = jnp.pad(g1, ((0, _N_ACC - _N), (0, 0)))
  g1s = jnp.stack([g1p[:, :64], g1p[:, 64:]])
  s1 = _edge_scatter_128s(g1s, srcb64, dstb64, zeros64)[:, :, :_N]
  h, g2 = _stage_b(s1, g1, dinv, b1.reshape(1, -1), W2)
  g2p = jnp.pad(g2, ((0, _N_ACC - _N), (0, 0)))
  s2 = _edge_scatter_64s(g2p, srcb64, dstb64, zeros64)[:, :_N]
  return _stage_c(s2, g2, dinv, b2.reshape(1, -1), x, h, Wl, bl.reshape(1, -1))

# --- scband reference (transcript-rebuilt; emitter-appended) ---
"""Pipeline reference for scband-h2-gcn-ego-65472481460997 (READ-ONLY COPY).

The authoritative reference and input builder live on the scoring server;
editing this copy changes nothing except your own understanding.
"""

import jax, jax.numpy as jnp
import numpy as np

N = 10000
E = 320000
D_IN = 128
D_HID = 128
D_OUT = 64


def _glorot(k, shape):
    lim = jnp.sqrt(6.0 / (shape[0] + shape[1]))
    return jax.random.uniform(k, shape, jnp.float32, -lim, lim)


def setup_inputs(seed: int = 0):
    key = jax.random.key(seed)
    ks = jax.random.split(key, 6)
    x = jax.random.normal(ks[0], (N, D_IN), dtype=jnp.float32)
    edge_index = jax.random.randint(ks[1], (2, E), 0, N, dtype=jnp.int32)
    W1 = _glorot(ks[2], (D_IN, D_HID))
    b1 = jnp.zeros((D_HID,), jnp.float32)
    W2 = _glorot(ks[3], (D_HID, D_OUT))
    b2 = jnp.zeros((D_OUT,), jnp.float32)
    Wl = _glorot(ks[4], (D_IN + D_HID + D_OUT, D_OUT))
    bl = jnp.zeros((D_OUT,), jnp.float32)
    return {"x": x, "edge_index": edge_index, "W1": W1, "b1": b1, "W2": W2, "b2": b2, "Wl": Wl, "bl": bl}


def gcn_conv(x, src, dst, W, b, n):
    # GCNConv with add_self_loops=True and symmetric normalization (PyG semantics)
    loops = jnp.arange(n, dtype=src.dtype)
    s = jnp.concatenate([src, loops])
    d = jnp.concatenate([dst, loops])
    deg = jnp.zeros((n,), jnp.float32).at[d].add(1.0)
    dinv = jnp.where(deg > 0, 1.0 / jnp.sqrt(deg), 0.0)
    norm = dinv[s] * dinv[d]
    h = x @ W
    msg = h[s] * norm[:, None]
    out = jnp.zeros((n, h.shape[1]), jnp.float32).at[d].add(msg)
    return out + b


def reference(x, edge_index, W1, b1, W2, b2, Wl, bl):
    src, dst = edge_index[0], edge_index[1]
    n = x.shape[0]
    intermediate = [x]
    h = gcn_conv(x, src, dst, W1, b1, n)
    h = jax.nn.relu(h)
    # dropout is a no-op in eval mode
    intermediate.append(h)
    h2 = gcn_conv(h, src, dst, W2, b2, n)
    intermediate.append(h2)
    cat = jnp.concatenate(intermediate, axis=1)
    out = cat @ Wl + bl
    return jax.nn.log_softmax(out, axis=-1)

if __name__ == "__main__":
    import jax
    _d = setup_inputs()
    print(jax.jit(kernel)(*tuple(_d.values())))

</pallas_src>

<mosaic_0001>
#map = affine_map<(d0, d1) -> (0, 0, 0)>
#map1 = affine_map<(d0, d1) -> (0, 0)>
#map2 = affine_map<(d0, d1) -> (0, 0, 0, 0)>
module attributes {stable_mosaic.version = 14 : i64} {
  func.func @k(%arg0: i32, %arg1: i32, %arg2: memref<2x10112x64xf32, #tpu.memory_space<hbm>>, %arg3: memref<32x80x128xi32, #tpu.memory_space<hbm>>, %arg4: memref<32x80x128xi32, #tpu.memory_space<hbm>>, %arg5: memref<632x64xf32, #tpu.memory_space<hbm>>, %arg6: memref<2x2x10112x64xf32, #tpu.memory_space<hbm>>, %arg7: memref<80x128xi32, #tpu.memory_space<vmem>>, %arg8: memref<80x128xi32, #tpu.memory_space<vmem>>, %arg9: memref<2x128x64xf32, #tpu.memory_space<vmem>>, %arg10: memref<10112x64xf32, #tpu.memory_space<vmem_shared>>, %arg11: memref<10112x64xf32, #tpu.memory_space<vmem_shared>>, %arg12: memref<!tpu.dma_semaphore, #tpu.memory_space<semaphore_mem>>, %arg13: memref<!tpu.dma_semaphore, #tpu.memory_space<semaphore_mem>>) attributes {dimension_semantics = [#tpu.dimension_semantics<core_parallel>, #tpu.dimension_semantics<subcore_parallel>], iteration_bounds = array<i64: 2, 16>, scalar_prefetch = 0 : i64, scratch_operands = 7 : i64, tpu.core_type = #tpu.core_type<sc_vector_subcore>, window_params = [{transform_indices = #map}, {transform_indices = #map}, {transform_indices = #map}, {transform_indices = #map1}, {transform_indices = #map2}]} {
    %mul3A = arith.constant 16 : i32
    %mul3A_0 = arith.muli %arg0, %mul3A : i32
    %add3A = arith.addi %mul3A_0, %arg1 : i32
    "tpu.region"() ({
      %run_scoped3A_61 = tpu.sem_alloc : memref<!tpu.dma_semaphore, #tpu.memory_space<semaphore_mem>>
      %dma_start3A_62 = arith.constant 0 : i32
      %dma_start3A_63 = arith.constant 0 : i32
      %dma_start3A_64 = tpu.memref_slice %arg3[%add3A, %dma_start3A_62, %dma_start3A_63] : memref<32x80x128xi32, #tpu.memory_space<hbm>> -> memref<1x80x128xi32, #tpu.memory_space<hbm>>
      %dma_start3A_65 = tpu.memref_squeeze %dma_start3A_64 : memref<1x80x128xi32, #tpu.memory_space<hbm>> -> memref<80x128xi32, #tpu.memory_space<hbm>>
      %dma_start3A_66 = arith.constant 0 : i32
      %dma_start3A_67 = arith.constant 0 : i32
      %dma_start3A_68 = tpu.memref_slice %arg3[%add3A, %dma_start3A_66, %dma_start3A_67] : memref<32x80x128xi32, #tpu.memory_space<hbm>> -> memref<1x80x128xi32, #tpu.memory_space<hbm>>
      %dma_start3A_69 = tpu.memref_squeeze %dma_start3A_68 : memref<1x80x128xi32, #tpu.memory_space<hbm>> -> memref<80x128xi32, #tpu.memory_space<hbm>>
      tpu.enqueue_dma source(%dma_start3A_69 : memref<80x128xi32, #tpu.memory_space<hbm>>) target(%arg7 : memref<80x128xi32, #tpu.memory_space<vmem>>) target_semaphore(%run_scoped3A_61 : memref<!tpu.dma_semaphore, #tpu.memory_space<semaphore_mem>>)
      %dma_wait3A = arith.constant 0 : i32
      %dma_wait3A_70 = arith.constant 0 : i32
      %dma_wait3A_71 = tpu.memref_slice %arg3[%add3A, %dma_wait3A, %dma_wait3A_70] : memref<32x80x128xi32, #tpu.memory_space<hbm>> -> memref<1x80x128xi32, #tpu.memory_space<hbm>>
      %dma_wait3A_72 = tpu.memref_squeeze %dma_wait3A_71 : memref<1x80x128xi32, #tpu.memory_space<hbm>> -> memref<80x128xi32, #tpu.memory_space<hbm>>
      %dma_wait3A_73 = arith.constant 0 : i32
      %dma_wait3A_74 = arith.constant 0 : i32
      %dma_wait3A_75 = tpu.memref_slice %arg3[%add3A, %dma_wait3A_73, %dma_wait3A_74] : memref<32x80x128xi32, #tpu.memory_space<hbm>> -> memref<1x80x128xi32, #tpu.memory_space<hbm>>
      %dma_wait3A_76 = tpu.memref_squeeze %dma_wait3A_75 : memref<1x80x128xi32, #tpu.memory_space<hbm>> -> memref<80x128xi32, #tpu.memory_space<hbm>>
      tpu.wait_dma2 semaphore(%run_scoped3A_61 : memref<!tpu.dma_semaphore, #tpu.memory_space<semaphore_mem>>) src(%dma_wait3A_76 : memref<80x128xi32, #tpu.memory_space<hbm>>) dst(%arg7 : memref<80x128xi32, #tpu.memory_space<vmem>>)
      tpu.yield
    }) : () -> ()
    "tpu.region"() ({
      %run_scoped3A_61 = tpu.sem_alloc : memref<!tpu.dma_semaphore, #tpu.memory_space<semaphore_mem>>
      %dma_start3A_62 = arith.constant 0 : i32
      %dma_start3A_63 = arith.constant 0 : i32
      %dma_start3A_64 = tpu.memref_slice %arg4[%add3A, %dma_start3A_62, %dma_start3A_63] : memref<32x80x128xi32, #tpu.memory_space<hbm>> -> memref<1x80x128xi32, #tpu.memory_space<hbm>>
      %dma_start3A_65 = tpu.memref_squeeze %dma_start3A_64 : memref<1x80x128xi32, #tpu.memory_space<hbm>> -> memref<80x128xi32, #tpu.memory_space<hbm>>
      %dma_start3A_66 = arith.constant 0 : i32
      %dma_start3A_67 = arith.constant 0 : i32
      %dma_start3A_68 = tpu.memref_slice %arg4[%add3A, %dma_start3A_66, %dma_start3A_67] : memref<32x80x128xi32, #tpu.memory_space<hbm>> -> memref<1x80x128xi32, #tpu.memory_space<hbm>>
      %dma_start3A_69 = tpu.memref_squeeze %dma_start3A_68 : memref<1x80x128xi32, #tpu.memory_space<hbm>> -> memref<80x128xi32, #tpu.memory_space<hbm>>
      tpu.enqueue_dma source(%dma_start3A_69 : memref<80x128xi32, #tpu.memory_space<hbm>>) target(%arg8 : memref<80x128xi32, #tpu.memory_space<vmem>>) target_semaphore(%run_scoped3A_61 : memref<!tpu.dma_semaphore, #tpu.memory_space<semaphore_mem>>)
      %dma_wait3A = arith.constant 0 : i32
      %dma_wait3A_70 = arith.constant 0 : i32
      %dma_wait3A_71 = tpu.memref_slice %arg4[%add3A, %dma_wait3A, %dma_wait3A_70] : memref<32x80x128xi32, #tpu.memory_space<hbm>> -> memref<1x80x128xi32, #tpu.memory_space<hbm>>
      %dma_wait3A_72 = tpu.memref_squeeze %dma_wait3A_71 : memref<1x80x128xi32, #tpu.memory_space<hbm>> -> memref<80x128xi32, #tpu.memory_space<hbm>>
      %dma_wait3A_73 = arith.constant 0 : i32
      %dma_wait3A_74 = arith.constant 0 : i32
      %dma_wait3A_75 = tpu.memref_slice %arg4[%add3A, %dma_wait3A_73, %dma_wait3A_74] : memref<32x80x128xi32, #tpu.memory_space<hbm>> -> memref<1x80x128xi32, #tpu.memory_space<hbm>>
      %dma_wait3A_76 = tpu.memref_squeeze %dma_wait3A_75 : memref<1x80x128xi32, #tpu.memory_space<hbm>> -> memref<80x128xi32, #tpu.memory_space<hbm>>
      tpu.wait_dma2 semaphore(%run_scoped3A_61 : memref<!tpu.dma_semaphore, #tpu.memory_space<semaphore_mem>>) src(%dma_wait3A_76 : memref<80x128xi32, #tpu.memory_space<hbm>>) dst(%arg8 : memref<80x128xi32, #tpu.memory_space<vmem>>)
      tpu.yield
    }) : () -> ()
    %mul3A_1 = arith.constant 632 : i32
    %mul3A_2 = arith.muli %arg1, %mul3A_1 : i32
    %mul3A_3 = arith.constant 632 : i32
    %mul3A_4 = arith.muli %arg1, %mul3A_3 : i32
    %run_scoped3A = arith.constant 0 : i32
    "tpu.region"() ({
      %run_scoped3A_61 = tpu.sem_alloc : memref<!tpu.dma_semaphore, #tpu.memory_space<semaphore_mem>>
      %dma_start3A_62 = arith.constant 0 : i32
      %dma_start3A_63 = tpu.memref_slice %arg10[%mul3A_4, %dma_start3A_62] : memref<10112x64xf32, #tpu.memory_space<vmem_shared>> -> memref<632x64xf32, #tpu.memory_space<vmem_shared>>
      %dma_start3A_64 = arith.constant 0 : i32
      %dma_start3A_65 = tpu.memref_slice %arg2[%run_scoped3A, %mul3A_2, %dma_start3A_64] : memref<2x10112x64xf32, #tpu.memory_space<hbm>> -> memref<1x632x64xf32, #tpu.memory_space<hbm>>
      %dma_start3A_66 = tpu.memref_squeeze %dma_start3A_65 : memref<1x632x64xf32, #tpu.memory_space<hbm>> -> memref<632x64xf32, #tpu.memory_space<hbm>>
      tpu.enqueue_dma source(%dma_start3A_66 : memref<632x64xf32, #tpu.memory_space<hbm>>) target(%dma_start3A_63 : memref<632x64xf32, #tpu.memory_space<vmem_shared>>) target_semaphore(%run_scoped3A_61 : memref<!tpu.dma_semaphore, #tpu.memory_space<semaphore_mem>>)
      %dma_wait3A = arith.constant 0 : i32
      %dma_wait3A_67 = tpu.memref_slice %arg10[%mul3A_4, %dma_wait3A] : memref<10112x64xf32, #tpu.memory_space<vmem_shared>> -> memref<632x64xf32, #tpu.memory_space<vmem_shared>>
      %dma_wait3A_68 = arith.constant 0 : i32
      %dma_wait3A_69 = tpu.memref_slice %arg2[%run_scoped3A, %mul3A_2, %dma_wait3A_68] : memref<2x10112x64xf32, #tpu.memory_space<hbm>> -> memref<1x632x64xf32, #tpu.memory_space<hbm>>
      %dma_wait3A_70 = tpu.memref_squeeze %dma_wait3A_69 : memref<1x632x64xf32, #tpu.memory_space<hbm>> -> memref<632x64xf32, #tpu.memory_space<hbm>>
      tpu.wait_dma2 semaphore(%run_scoped3A_61 : memref<!tpu.dma_semaphore, #tpu.memory_space<semaphore_mem>>) src(%dma_wait3A_70 : memref<632x64xf32, #tpu.memory_space<hbm>>) dst(%dma_wait3A_67 : memref<632x64xf32, #tpu.memory_space<vmem_shared>>)
      tpu.yield
    }) : () -> ()
    %mul3A_5 = arith.constant 632 : i32
    %mul3A_6 = arith.muli %arg1, %mul3A_5 : i32
    "tpu.region"() ({
      %run_scoped3A_61 = tpu.sem_alloc : memref<!tpu.dma_semaphore, #tpu.memory_space<semaphore_mem>>
      %dma_start3A_62 = arith.constant 0 : i32
      %dma_start3A_63 = tpu.memref_slice %arg11[%mul3A_6, %dma_start3A_62] : memref<10112x64xf32, #tpu.memory_space<vmem_shared>> -> memref<632x64xf32, #tpu.memory_space<vmem_shared>>
      tpu.enqueue_dma source(%arg5 : memref<632x64xf32, #tpu.memory_space<hbm>>) target(%dma_start3A_63 : memref<632x64xf32, #tpu.memory_space<vmem_shared>>) target_semaphore(%run_scoped3A_61 : memref<!tpu.dma_semaphore, #tpu.memory_space<semaphore_mem>>)
      %dma_wait3A = arith.constant 0 : i32
      %dma_wait3A_64 = tpu.memref_slice %arg11[%mul3A_6, %dma_wait3A] : memref<10112x64xf32, #tpu.memory_space<vmem_shared>> -> memref<632x64xf32, #tpu.memory_space<vmem_shared>>
      tpu.wait_dma2 semaphore(%run_scoped3A_61 : memref<!tpu.dma_semaphore, #tpu.memory_space<semaphore_mem>>) src(%arg5 : memref<632x64xf32, #tpu.memory_space<hbm>>) dst(%dma_wait3A_64 : memref<632x64xf32, #tpu.memory_space<vmem_shared>>)
      tpu.yield
    }) : () -> ()
    %barrier3A = arith.constant 0 : index
    tpu.barrier barrier_id(%barrier3A)
    %dma_start3A = arith.constant 0 : i32
    %dma_start3A_7 = arith.constant 0 : i32
    %dma_start3A_8 = arith.constant 0 : i32
    %dma_start3A_9 = arith.constant 0 : i32
    %dma_start3A_10 = tpu.memref_slice %arg9[%dma_start3A_7, %dma_start3A_8, %dma_start3A_9] : memref<2x128x64xf32, #tpu.memory_space<vmem>> -> memref<1x128x64xf32, #tpu.memory_space<vmem>>
    %dma_start3A_11 = tpu.memref_squeeze %dma_start3A_10 : memref<1x128x64xf32, #tpu.memory_space<vmem>> -> memref<128x64xf32, #tpu.memory_space<vmem>>
    %dma_start3A_12 = arith.constant 0 : i32
    %dma_start3A_13 = tpu.memref_slice %arg7[%dma_start3A, %dma_start3A_12] : memref<80x128xi32, #tpu.memory_space<vmem>> -> memref<1x128xi32, #tpu.memory_space<vmem>>
    %dma_start3A_14 = tpu.memref_squeeze %dma_start3A_13 : memref<1x128xi32, #tpu.memory_space<vmem>> -> memref<128xi32, #tpu.memory_space<vmem>>
    %dma_start3A_15 = arith.constant 0 : i32
    %dma_start3A_16 = arith.constant 0 : i32
    %dma_start3A_17 = tpu.memref_slice %arg10[%dma_start3A_15, %dma_start3A_16] : memref<10112x64xf32, #tpu.memory_space<vmem_shared>> -> memref<10112x64xf32, #tpu.memory_space<vmem_shared>>
    tpu.enqueue_indirect_dma source(%dma_start3A_17 : memref<10112x64xf32, #tpu.memory_space<vmem_shared>>) target(%dma_start3A_11 : memref<128x64xf32, #tpu.memory_space<vmem>>) offsets(%dma_start3A_14 : memref<128xi32, #tpu.memory_space<vmem>>) semaphore(%arg12 : memref<!tpu.dma_semaphore, #tpu.memory_space<semaphore_mem>>)
    %scan3A = arith.constant 0 : i32
    %scan3A_18 = arith.constant 0 : i32
    %scan3A_19 = arith.constant 40 : i32
    %scan3A_20 = arith.addi %scan3A_18, %scan3A_19 : i32
    %scan3A_21 = arith.constant 1 : i32
    scf.for %scan3A_61 = %scan3A_18 to %scan3A_20 step %scan3A_21  : i32 {
      %mul3A_62 = arith.constant 2 : i32
      %mul3A_63 = arith.muli %mul3A_62, %scan3A_61 : i32
      %add3A_64 = arith.constant 1 : i32
      %add3A_65 = arith.addi %mul3A_63, %add3A_64 : i32
      %dma_wait3A = arith.constant 0 : i32
      %dma_wait3A_66 = arith.constant 0 : i32
      %dma_wait3A_67 = arith.constant 0 : i32
      %dma_wait3A_68 = tpu.memref_slice %arg9[%dma_wait3A, %dma_wait3A_66, %dma_wait3A_67] : memref<2x128x64xf32, #tpu.memory_space<vmem>> -> memref<1x128x64xf32, #tpu.memory_space<vmem>>
      %dma_wait3A_69 = tpu.memref_squeeze %dma_wait3A_68 : memref<1x128x64xf32, #tpu.memory_space<vmem>> -> memref<128x64xf32, #tpu.memory_space<vmem>>
      %dma_wait3A_70 = arith.constant 0 : i32
      %dma_wait3A_71 = tpu.memref_slice %arg7[%mul3A_63, %dma_wait3A_70] : memref<80x128xi32, #tpu.memory_space<vmem>> -> memref<1x128xi32, #tpu.memory_space<vmem>>
      %dma_wait3A_72 = tpu.memref_squeeze %dma_wait3A_71 : memref<1x128xi32, #tpu.memory_space<vmem>> -> memref<128xi32, #tpu.memory_space<vmem>>
      %dma_wait3A_73 = arith.constant 0 : i32
      %dma_wait3A_74 = arith.constant 0 : i32
      %dma_wait3A_75 = tpu.memref_slice %arg10[%dma_wait3A_73, %dma_wait3A_74] : memref<10112x64xf32, #tpu.memory_space<vmem_shared>> -> memref<10112x64xf32, #tpu.memory_space<vmem_shared>>
      tpu.wait_indirect_dma semaphore(%arg12 : memref<!tpu.dma_semaphore, #tpu.memory_space<semaphore_mem>>) src(%dma_wait3A_75 : memref<10112x64xf32, #tpu.memory_space<vmem_shared>>) dst(%dma_wait3A_69 : memref<128x64xf32, #tpu.memory_space<vmem>>)
      %dma_start3A_76 = arith.constant 1 : i32
      %dma_start3A_77 = arith.constant 0 : i32
      %dma_start3A_78 = arith.constant 0 : i32
      %dma_start3A_79 = tpu.memref_slice %arg9[%dma_start3A_76, %dma_start3A_77, %dma_start3A_78] : memref<2x128x64xf32, #tpu.memory_space<vmem>> -> memref<1x128x64xf32, #tpu.memory_space<vmem>>
      %dma_start3A_80 = tpu.memref_squeeze %dma_start3A_79 : memref<1x128x64xf32, #tpu.memory_space<vmem>> -> memref<128x64xf32, #tpu.memory_space<vmem>>
      %dma_start3A_81 = arith.constant 0 : i32
      %dma_start3A_82 = tpu.memref_slice %arg7[%add3A_65, %dma_start3A_81] : memref<80x128xi32, #tpu.memory_space<vmem>> -> memref<1x128xi32, #tpu.memory_space<vmem>>
      %dma_start3A_83 = tpu.memref_squeeze %dma_start3A_82 : memref<1x128xi32, #tpu.memory_space<vmem>> -> memref<128xi32, #tpu.memory_space<vmem>>
      %dma_start3A_84 = arith.constant 0 : i32
      %dma_start3A_85 = arith.constant 0 : i32
      %dma_start3A_86 = tpu.memref_slice %arg10[%dma_start3A_84, %dma_start3A_85] : memref<10112x64xf32, #tpu.memory_space<vmem_shared>> -> memref<10112x64xf32, #tpu.memory_space<vmem_shared>>
      tpu.enqueue_indirect_dma source(%dma_start3A_86 : memref<10112x64xf32, #tpu.memory_space<vmem_shared>>) target(%dma_start3A_80 : memref<128x64xf32, #tpu.memory_space<vmem>>) offsets(%dma_start3A_83 : memref<128xi32, #tpu.memory_space<vmem>>) semaphore(%arg13 : memref<!tpu.dma_semaphore, #tpu.memory_space<semaphore_mem>>)
      %run_scoped3A_87 = arith.constant 0 : i32
      "tpu.region"() ({
        %run_scoped3A_104 = tpu.sem_alloc : memref<!tpu.dma_semaphore, #tpu.memory_space<semaphore_mem>>
        %dma_start3A_105 = arith.constant 0 : i32
        %dma_start3A_106 = arith.constant 0 : i32
        %dma_start3A_107 = tpu.memref_slice %arg9[%run_scoped3A_87, %dma_start3A_105, %dma_start3A_106] : memref<2x128x64xf32, #tpu.memory_space<vmem>> -> memref<1x128x64xf32, #tpu.memory_space<vmem>>
        %dma_start3A_108 = tpu.memref_squeeze %dma_start3A_107 : memref<1x128x64xf32, #tpu.memory_space<vmem>> -> memref<128x64xf32, #tpu.memory_space<vmem>>
        %dma_start3A_109 = arith.constant 0 : i32
        %dma_start3A_110 = tpu.memref_slice %arg8[%mul3A_63, %dma_start3A_109] : memref<80x128xi32, #tpu.memory_space<vmem>> -> memref<1x128xi32, #tpu.memory_space<vmem>>
        %dma_start3A_111 = tpu.memref_squeeze %dma_start3A_110 : memref<1x128xi32, #tpu.memory_space<vmem>> -> memref<128xi32, #tpu.memory_space<vmem>>
        %dma_start3A_112 = arith.constant 0 : i32
        %dma_start3A_113 = arith.constant 0 : i32
        %dma_start3A_114 = tpu.memref_slice %arg11[%dma_start3A_112, %dma_start3A_113] : memref<10112x64xf32, #tpu.memory_space<vmem_shared>> -> memref<10112x64xf32, #tpu.memory_space<vmem_shared>>
        tpu.enqueue_indirect_dma source(%dma_start3A_108 : memref<128x64xf32, #tpu.memory_space<vmem>>) target(%dma_start3A_114 : memref<10112x64xf32, #tpu.memory_space<vmem_shared>>) offsets(%dma_start3A_111 : memref<128xi32, #tpu.memory_space<vmem>>) semaphore(%run_scoped3A_104 : memref<!tpu.dma_semaphore, #tpu.memory_space<semaphore_mem>>) {add = true}
        %dma_wait3A_115 = arith.constant 0 : i32
        %dma_wait3A_116 = arith.constant 0 : i32
        %dma_wait3A_117 = tpu.memref_slice %arg9[%run_scoped3A_87, %dma_wait3A_115, %dma_wait3A_116] : memref<2x128x64xf32, #tpu.memory_space<vmem>> -> memref<1x128x64xf32, #tpu.memory_space<vmem>>
        %dma_wait3A_118 = tpu.memref_squeeze %dma_wait3A_117 : memref<1x128x64xf32, #tpu.memory_space<vmem>> -> memref<128x64xf32, #tpu.memory_space<vmem>>
        %dma_wait3A_119 = arith.constant 0 : i32
        %dma_wait3A_120 = tpu.memref_slice %arg8[%mul3A_63, %dma_wait3A_119] : memref<80x128xi32, #tpu.memory_space<vmem>> -> memref<1x128xi32, #tpu.memory_space<vmem>>
        %dma_wait3A_121 = tpu.memref_squeeze %dma_wait3A_120 : memref<1x128xi32, #tpu.memory_space<vmem>> -> memref<128xi32, #tpu.memory_space<vmem>>
        %dma_wait3A_122 = arith.constant 0 : i32
        %dma_wait3A_123 = arith.constant 0 : i32
        %dma_wait3A_124 = tpu.memref_slice %arg11[%dma_wait3A_122, %dma_wait3A_123] : memref<10112x64xf32, #tpu.memory_space<vmem_shared>> -> memref<10112x64xf32, #tpu.memory_space<vmem_shared>>
        tpu.wait_indirect_dma semaphore(%run_scoped3A_104 : memref<!tpu.dma_semaphore, #tpu.memory_space<semaphore_mem>>) src(%dma_wait3A_118 : memref<128x64xf32, #tpu.memory_space<vmem>>) dst(%dma_wait3A_124 : memref<10112x64xf32, #tpu.memory_space<vmem_shared>>)
        tpu.yield
      }) : () -> ()
      %dma_wait3A_88 = arith.constant 1 : i32
      %dma_wait3A_89 = arith.constant 0 : i32
      %dma_wait3A_90 = arith.constant 0 : i32
      %dma_wait3A_91 = tpu.memref_slice %arg9[%dma_wait3A_88, %dma_wait3A_89, %dma_wait3A_90] : memref<2x128x64xf32, #tpu.memory_space<vmem>> -> memref<1x128x64xf32, #tpu.memory_space<vmem>>
      %dma_wait3A_92 = tpu.memref_squeeze %dma_wait3A_91 : memref<1x128x64xf32, #tpu.memory_space<vmem>> -> memref<128x64xf32, #tpu.memory_space<vmem>>
      %dma_wait3A_93 = arith.constant 0 : i32
      %dma_wait3A_94 = tpu.memref_slice %arg7[%add3A_65, %dma_wait3A_93] : memref<80x128xi32, #tpu.memory_space<vmem>> -> memref<1x128xi32, #tpu.memory_space<vmem>>
      %dma_wait3A_95 = tpu.memref_squeeze %dma_wait3A_94 : memref<1x128xi32, #tpu.memory_space<vmem>> -> memref<128xi32, #tpu.memory_space<vmem>>
      %dma_wait3A_96 = arith.constant 0 : i32
      %dma_wait3A_97 = arith.constant 0 : i32
      %dma_wait3A_98 = tpu.memref_slice %arg10[%dma_wait3A_96, %dma_wait3A_97] : memref<10112x64xf32, #tpu.memory_space<vmem_shared>> -> memref<10112x64xf32, #tpu.memory_space<vmem_shared>>
      tpu.wait_indirect_dma semaphore(%arg13 : memref<!tpu.dma_semaphore, #tpu.memory_space<semaphore_mem>>) src(%dma_wait3A_98 : memref<10112x64xf32, #tpu.memory_space<vmem_shared>>) dst(%dma_wait3A_92 : memref<128x64xf32, #tpu.memory_space<vmem>>)
      %add3A_99 = arith.constant 1 : i32
      %add3A_100 = arith.addi %scan3A_61, %add3A_99 : i32
      %lt3A = arith.constant 40 : i32
      %lt3A_101 = arith.cmpi slt, %add3A_100, %lt3A : i32
      %convert_element_type3A = arith.extui %lt3A_101 : i1 to i32
      %cond3A = arith.constant 0 : i32
      %cond3A_102 = arith.cmpi ne, %convert_element_type3A, %cond3A : i32
      scf.if %cond3A_102 {
        %add3A_104 = arith.constant 2 : i32
        %add3A_105 = arith.addi %mul3A_63, %add3A_104 : i32
        %dma_start3A_106 = arith.constant 0 : i32
        %dma_start3A_107 = arith.constant 0 : i32
        %dma_start3A_108 = arith.constant 0 : i32
        %dma_start3A_109 = tpu.memref_slice %arg9[%dma_start3A_106, %dma_start3A_107, %dma_start3A_108] : memref<2x128x64xf32, #tpu.memory_space<vmem>> -> memref<1x128x64xf32, #tpu.memory_space<vmem>>
        %dma_start3A_110 = tpu.memref_squeeze %dma_start3A_109 : memref<1x128x64xf32, #tpu.memory_space<vmem>> -> memref<128x64xf32, #tpu.memory_space<vmem>>
        %dma_start3A_111 = arith.constant 0 : i32
        %dma_start3A_112 = tpu.memref_slice %arg7[%add3A_105, %dma_start3A_111] : memref<80x128xi32, #tpu.memory_space<vmem>> -> memref<1x128xi32, #tpu.memory_space<vmem>>
        %dma_start3A_113 = tpu.memref_squeeze %dma_start3A_112 : memref<1x128xi32, #tpu.memory_space<vmem>> -> memref<128xi32, #tpu.memory_space<vmem>>
        %dma_start3A_114 = arith.constant 0 : i32
        %dma_start3A_115 = arith.constant 0 : i32
        %dma_start3A_116 = tpu.memref_slice %arg10[%dma_start3A_114, %dma_start3A_115] : memref<10112x64xf32, #tpu.memory_space<vmem_shared>> -> memref<10112x64xf32, #tpu.memory_space<vmem_shared>>
        tpu.enqueue_indirect_dma source(%dma_start3A_116 : memref<10112x64xf32, #tpu.memory_space<vmem_shared>>) target(%dma_start3A_110 : memref<128x64xf32, #tpu.memory_space<vmem>>) offsets(%dma_start3A_113 : memref<128xi32, #tpu.memory_space<vmem>>) semaphore(%arg12 : memref<!tpu.dma_semaphore, #tpu.memory_space<semaphore_mem>>)
      } else {
      }
      %run_scoped3A_103 = arith.constant 1 : i32
      "tpu.region"() ({
        %run_scoped3A_104 = tpu.sem_alloc : memref<!tpu.dma_semaphore, #tpu.memory_space<semaphore_mem>>
        %dma_start3A_105 = arith.constant 0 : i32
        %dma_start3A_106 = arith.constant 0 : i32
        %dma_start3A_107 = tpu.memref_slice %arg9[%run_scoped3A_103, %dma_start3A_105, %dma_start3A_106] : memref<2x128x64xf32, #tpu.memory_space<vmem>> -> memref<1x128x64xf32, #tpu.memory_space<vmem>>
        %dma_start3A_108 = tpu.memref_squeeze %dma_start3A_107 : memref<1x128x64xf32, #tpu.memory_space<vmem>> -> memref<128x64xf32, #tpu.memory_space<vmem>>
        %dma_start3A_109 = arith.constant 0 : i32
        %dma_start3A_110 = tpu.memref_slice %arg8[%add3A_65, %dma_start3A_109] : memref<80x128xi32, #tpu.memory_space<vmem>> -> memref<1x128xi32, #tpu.memory_space<vmem>>
        %dma_start3A_111 = tpu.memref_squeeze %dma_start3A_110 : memref<1x128xi32, #tpu.memory_space<vmem>> -> memref<128xi32, #tpu.memory_space<vmem>>
        %dma_start3A_112 = arith.constant 0 : i32
        %dma_start3A_113 = arith.constant 0 : i32
        %dma_start3A_114 = tpu.memref_slice %arg11[%dma_start3A_112, %dma_start3A_113] : memref<10112x64xf32, #tpu.memory_space<vmem_shared>> -> memref<10112x64xf32, #tpu.memory_space<vmem_shared>>
        tpu.enqueue_indirect_dma source(%dma_start3A_108 : memref<128x64xf32, #tpu.memory_space<vmem>>) target(%dma_start3A_114 : memref<10112x64xf32, #tpu.memory_space<vmem_shared>>) offsets(%dma_start3A_111 : memref<128xi32, #tpu.memory_space<vmem>>) semaphore(%run_scoped3A_104 : memref<!tpu.dma_semaphore, #tpu.memory_space<semaphore_mem>>) {add = true}
        %dma_wait3A_115 = arith.constant 0 : i32
        %dma_wait3A_116 = arith.constant 0 : i32
        %dma_wait3A_117 = tpu.memref_slice %arg9[%run_scoped3A_103, %dma_wait3A_115, %dma_wait3A_116] : memref<2x128x64xf32, #tpu.memory_space<vmem>> -> memref<1x128x64xf32, #tpu.memory_space<vmem>>
        %dma_wait3A_118 = tpu.memref_squeeze %dma_wait3A_117 : memref<1x128x64xf32, #tpu.memory_space<vmem>> -> memref<128x64xf32, #tpu.memory_space<vmem>>
        %dma_wait3A_119 = arith.constant 0 : i32
        %dma_wait3A_120 = tpu.memref_slice %arg8[%add3A_65, %dma_wait3A_119] : memref<80x128xi32, #tpu.memory_space<vmem>> -> memref<1x128xi32, #tpu.memory_space<vmem>>
        %dma_wait3A_121 = tpu.memref_squeeze %dma_wait3A_120 : memref<1x128xi32, #tpu.memory_space<vmem>> -> memref<128xi32, #tpu.memory_space<vmem>>
        %dma_wait3A_122 = arith.constant 0 : i32
        %dma_wait3A_123 = arith.constant 0 : i32
        %dma_wait3A_124 = tpu.memref_slice %arg11[%dma_wait3A_122, %dma_wait3A_123] : memref<10112x64xf32, #tpu.memory_space<vmem_shared>> -> memref<10112x64xf32, #tpu.memory_space<vmem_shared>>
        tpu.wait_indirect_dma semaphore(%run_scoped3A_104 : memref<!tpu.dma_semaphore, #tpu.memory_space<semaphore_mem>>) src(%dma_wait3A_118 : memref<128x64xf32, #tpu.memory_space<vmem>>) dst(%dma_wait3A_124 : memref<10112x64xf32, #tpu.memory_space<vmem_shared>>)
        tpu.yield
      }) : () -> ()
    }
    %scan3A_22 = arith.constant 40 : i32
    %barrier3A_23 = arith.constant 0 : index
    tpu.barrier barrier_id(%barrier3A_23)
    %mul3A_24 = arith.constant 632 : i32
    %mul3A_25 = arith.muli %arg1, %mul3A_24 : i32
    %mul3A_26 = arith.constant 632 : i32
    %mul3A_27 = arith.muli %arg1, %mul3A_26 : i32
    %run_scoped3A_28 = arith.constant 0 : i32
    "tpu.region"() ({
      %run_scoped3A_61 = tpu.sem_alloc : memref<!tpu.dma_semaphore, #tpu.memory_space<semaphore_mem>>
      %dma_start3A_62 = arith.constant 0 : i32
      %dma_start3A_63 = tpu.memref_slice %arg6[%arg0, %run_scoped3A_28, %mul3A_27, %dma_start3A_62] : memref<2x2x10112x64xf32, #tpu.memory_space<hbm>> -> memref<1x1x632x64xf32, #tpu.memory_space<hbm>>
      %dma_start3A_64 = tpu.memref_squeeze %dma_start3A_63 : memref<1x1x632x64xf32, #tpu.memory_space<hbm>> -> memref<632x64xf32, #tpu.memory_space<hbm>>
      %dma_start3A_65 = arith.constant 0 : i32
      %dma_start3A_66 = tpu.memref_slice %arg11[%mul3A_25, %dma_start3A_65] : memref<10112x64xf32, #tpu.memory_space<vmem_shared>> -> memref<632x64xf32, #tpu.memory_space<vmem_shared>>
      tpu.enqueue_dma source(%dma_start3A_66 : memref<632x64xf32, #tpu.memory_space<vmem_shared>>) target(%dma_start3A_64 : memref<632x64xf32, #tpu.memory_space<hbm>>) target_semaphore(%run_scoped3A_61 : memref<!tpu.dma_semaphore, #tpu.memory_space<semaphore_mem>>)
      %dma_wait3A = arith.constant 0 : i32
      %dma_wait3A_67 = tpu.memref_slice %arg6[%arg0, %run_scoped3A_28, %mul3A_27, %dma_wait3A] : memref<2x2x10112x64xf32, #tpu.memory_space<hbm>> -> memref<1x1x632x64xf32, #tpu.memory_space<hbm>>
      %dma_wait3A_68 = tpu.memref_squeeze %dma_wait3A_67 : memref<1x1x632x64xf32, #tpu.memory_space<hbm>> -> memref<632x64xf32, #tpu.memory_space<hbm>>
      %dma_wait3A_69 = arith.constant 0 : i32
      %dma_wait3A_70 = tpu.memref_slice %arg11[%mul3A_25, %dma_wait3A_69] : memref<10112x64xf32, #tpu.memory_space<vmem_shared>> -> memref<632x64xf32, #tpu.memory_space<vmem_shared>>
      tpu.wait_dma2 semaphore(%run_scoped3A_61 : memref<!tpu.dma_semaphore, #tpu.memory_space<semaphore_mem>>) src(%dma_wait3A_70 : memref<632x64xf32, #tpu.memory_space<vmem_shared>>) dst(%dma_wait3A_68 : memref<632x64xf32, #tpu.memory_space<hbm>>)
      tpu.yield
    }) : () -> ()
    %mul3A_29 = arith.constant 632 : i32
    %mul3A_30 = arith.muli %arg1, %mul3A_29 : i32
    %mul3A_31 = arith.constant 632 : i32
    %mul3A_32 = arith.muli %arg1, %mul3A_31 : i32
    %run_scoped3A_33 = arith.constant 1 : i32
    "tpu.region"() ({
      %run_scoped3A_61 = tpu.sem_alloc : memref<!tpu.dma_semaphore, #tpu.memory_space<semaphore_mem>>
      %dma_start3A_62 = arith.constant 0 : i32
      %dma_start3A_63 = tpu.memref_slice %arg10[%mul3A_32, %dma_start3A_62] : memref<10112x64xf32, #tpu.memory_space<vmem_shared>> -> memref<632x64xf32, #tpu.memory_space<vmem_shared>>
      %dma_start3A_64 = arith.constant 0 : i32
      %dma_start3A_65 = tpu.memref_slice %arg2[%run_scoped3A_33, %mul3A_30, %dma_start3A_64] : memref<2x10112x64xf32, #tpu.memory_space<hbm>> -> memref<1x632x64xf32, #tpu.memory_space<hbm>>
      %dma_start3A_66 = tpu.memref_squeeze %dma_start3A_65 : memref<1x632x64xf32, #tpu.memory_space<hbm>> -> memref<632x64xf32, #tpu.memory_space<hbm>>
      tpu.enqueue_dma source(%dma_start3A_66 : memref<632x64xf32, #tpu.memory_space<hbm>>) target(%dma_start3A_63 : memref<632x64xf32, #tpu.memory_space<vmem_shared>>) target_semaphore(%run_scoped3A_61 : memref<!tpu.dma_semaphore, #tpu.memory_space<semaphore_mem>>)
      %dma_wait3A = arith.constant 0 : i32
      %dma_wait3A_67 = tpu.memref_slice %arg10[%mul3A_32, %dma_wait3A] : memref<10112x64xf32, #tpu.memory_space<vmem_shared>> -> memref<632x64xf32, #tpu.memory_space<vmem_shared>>
      %dma_wait3A_68 = arith.constant 0 : i32
      %dma_wait3A_69 = tpu.memref_slice %arg2[%run_scoped3A_33, %mul3A_30, %dma_wait3A_68] : memref<2x10112x64xf32, #tpu.memory_space<hbm>> -> memref<1x632x64xf32, #tpu.memory_space<hbm>>
      %dma_wait3A_70 = tpu.memref_squeeze %dma_wait3A_69 : memref<1x632x64xf32, #tpu.memory_space<hbm>> -> memref<632x64xf32, #tpu.memory_space<hbm>>
      tpu.wait_dma2 semaphore(%run_scoped3A_61 : memref<!tpu.dma_semaphore, #tpu.memory_space<semaphore_mem>>) src(%dma_wait3A_70 : memref<632x64xf32, #tpu.memory_space<hbm>>) dst(%dma_wait3A_67 : memref<632x64xf32, #tpu.memory_space<vmem_shared>>)
      tpu.yield
    }) : () -> ()
    %mul3A_34 = arith.constant 632 : i32
    %mul3A_35 = arith.muli %arg1, %mul3A_34 : i32
    "tpu.region"() ({
      %run_scoped3A_61 = tpu.sem_alloc : memref<!tpu.dma_semaphore, #tpu.memory_space<semaphore_mem>>
      %dma_start3A_62 = arith.constant 0 : i32
      %dma_start3A_63 = tpu.memref_slice %arg11[%mul3A_35, %dma_start3A_62] : memref<10112x64xf32, #tpu.memory_space<vmem_shared>> -> memref<632x64xf32, #tpu.memory_space<vmem_shared>>
      tpu.enqueue_dma source(%arg5 : memref<632x64xf32, #tpu.memory_space<hbm>>) target(%dma_start3A_63 : memref<632x64xf32, #tpu.memory_space<vmem_shared>>) target_semaphore(%run_scoped3A_61 : memref<!tpu.dma_semaphore, #tpu.memory_space<semaphore_mem>>)
      %dma_wait3A = arith.constant 0 : i32
      %dma_wait3A_64 = tpu.memref_slice %arg11[%mul3A_35, %dma_wait3A] : memref<10112x64xf32, #tpu.memory_space<vmem_shared>> -> memref<632x64xf32, #tpu.memory_space<vmem_shared>>
      tpu.wait_dma2 semaphore(%run_scoped3A_61 : memref<!tpu.dma_semaphore, #tpu.memory_space<semaphore_mem>>) src(%arg5 : memref<632x64xf32, #tpu.memory_space<hbm>>) dst(%dma_wait3A_64 : memref<632x64xf32, #tpu.memory_space<vmem_shared>>)
      tpu.yield
    }) : () -> ()
    %barrier3A_36 = arith.constant 0 : index
    tpu.barrier barrier_id(%barrier3A_36)
    %dma_start3A_37 = arith.constant 0 : i32
    %dma_start3A_38 = arith.constant 0 : i32
    %dma_start3A_39 = arith.constant 0 : i32
    %dma_start3A_40 = arith.constant 0 : i32
    %dma_start3A_41 = tpu.memref_slice %arg9[%dma_start3A_38, %dma_start3A_39, %dma_start3A_40] : memref<2x128x64xf32, #tpu.memory_space<vmem>> -> memref<1x128x64xf32, #tpu.memory_space<vmem>>
    %dma_start3A_42 = tpu.memref_squeeze %dma_start3A_41 : memref<1x128x64xf32, #tpu.memory_space<vmem>> -> memref<128x64xf32, #tpu.memory_space<vmem>>
    %dma_start3A_43 = arith.constant 0 : i32
    %dma_start3A_44 = tpu.memref_slice %arg7[%dma_start3A_37, %dma_start3A_43] : memref<80x128xi32, #tpu.memory_space<vmem>> -> memref<1x128xi32, #tpu.memory_space<vmem>>
    %dma_start3A_45 = tpu.memref_squeeze %dma_start3A_44 : memref<1x128xi32, #tpu.memory_space<vmem>> -> memref<128xi32, #tpu.memory_space<vmem>>
    %dma_start3A_46 = arith.constant 0 : i32
    %dma_start3A_47 = arith.constant 0 : i32
    %dma_start3A_48 = tpu.memref_slice %arg10[%dma_start3A_46, %dma_start3A_47] : memref<10112x64xf32, #tpu.memory_space<vmem_shared>> -> memref<10112x64xf32, #tpu.memory_space<vmem_shared>>
    tpu.enqueue_indirect_dma source(%dma_start3A_48 : memref<10112x64xf32, #tpu.memory_space<vmem_shared>>) target(%dma_start3A_42 : memref<128x64xf32, #tpu.memory_space<vmem>>) offsets(%dma_start3A_45 : memref<128xi32, #tpu.memory_space<vmem>>) semaphore(%arg12 : memref<!tpu.dma_semaphore, #tpu.memory_space<semaphore_mem>>)
    %scan3A_49 = arith.constant 0 : i32
    %scan3A_50 = arith.constant 0 : i32
    %scan3A_51 = arith.constant 40 : i32
    %scan3A_52 = arith.addi %scan3A_50, %scan3A_51 : i32
    %scan3A_53 = arith.constant 1 : i32
    scf.for %scan3A_61 = %scan3A_50 to %scan3A_52 step %scan3A_53  : i32 {
      %mul3A_62 = arith.constant 2 : i32
      %mul3A_63 = arith.muli %mul3A_62, %scan3A_61 : i32
      %add3A_64 = arith.constant 1 : i32
      %add3A_65 = arith.addi %mul3A_63, %add3A_64 : i32
      %dma_wait3A = arith.constant 0 : i32
      %dma_wait3A_66 = arith.constant 0 : i32
      %dma_wait3A_67 = arith.constant 0 : i32
      %dma_wait3A_68 = tpu.memref_slice %arg9[%dma_wait3A, %dma_wait3A_66, %dma_wait3A_67] : memref<2x128x64xf32, #tpu.memory_space<vmem>> -> memref<1x128x64xf32, #tpu.memory_space<vmem>>
      %dma_wait3A_69 = tpu.memref_squeeze %dma_wait3A_68 : memref<1x128x64xf32, #tpu.memory_space<vmem>> -> memref<128x64xf32, #tpu.memory_space<vmem>>
      %dma_wait3A_70 = arith.constant 0 : i32
      %dma_wait3A_71 = tpu.memref_slice %arg7[%mul3A_63, %dma_wait3A_70] : memref<80x128xi32, #tpu.memory_space<vmem>> -> memref<1x128xi32, #tpu.memory_space<vmem>>
      %dma_wait3A_72 = tpu.memref_squeeze %dma_wait3A_71 : memref<1x128xi32, #tpu.memory_space<vmem>> -> memref<128xi32, #tpu.memory_space<vmem>>
      %dma_wait3A_73 = arith.constant 0 : i32
      %dma_wait3A_74 = arith.constant 0 : i32
      %dma_wait3A_75 = tpu.memref_slice %arg10[%dma_wait3A_73, %dma_wait3A_74] : memref<10112x64xf32, #tpu.memory_space<vmem_shared>> -> memref<10112x64xf32, #tpu.memory_space<vmem_shared>>
      tpu.wait_indirect_dma semaphore(%arg12 : memref<!tpu.dma_semaphore, #tpu.memory_space<semaphore_mem>>) src(%dma_wait3A_75 : memref<10112x64xf32, #tpu.memory_space<vmem_shared>>) dst(%dma_wait3A_69 : memref<128x64xf32, #tpu.memory_space<vmem>>)
      %dma_start3A_76 = arith.constant 1 : i32
      %dma_start3A_77 = arith.constant 0 : i32
      %dma_start3A_78 = arith.constant 0 : i32
      %dma_start3A_79 = tpu.memref_slice %arg9[%dma_start3A_76, %dma_start3A_77, %dma_start3A_78] : memref<2x128x64xf32, #tpu.memory_space<vmem>> -> memref<1x128x64xf32, #tpu.memory_space<vmem>>
      %dma_start3A_80 = tpu.memref_squeeze %dma_start3A_79 : memref<1x128x64xf32, #tpu.memory_space<vmem>> -> memref<128x64xf32, #tpu.memory_space<vmem>>
      %dma_start3A_81 = arith.constant 0 : i32
      %dma_start3A_82 = tpu.memref_slice %arg7[%add3A_65, %dma_start3A_81] : memref<80x128xi32, #tpu.memory_space<vmem>> -> memref<1x128xi32, #tpu.memory_space<vmem>>
      %dma_start3A_83 = tpu.memref_squeeze %dma_start3A_82 : memref<1x128xi32, #tpu.memory_space<vmem>> -> memref<128xi32, #tpu.memory_space<vmem>>
      %dma_start3A_84 = arith.constant 0 : i32
      %dma_start3A_85 = arith.constant 0 : i32
      %dma_start3A_86 = tpu.memref_slice %arg10[%dma_start3A_84, %dma_start3A_85] : memref<10112x64xf32, #tpu.memory_space<vmem_shared>> -> memref<10112x64xf32, #tpu.memory_space<vmem_shared>>
      tpu.enqueue_indirect_dma source(%dma_start3A_86 : memref<10112x64xf32, #tpu.memory_space<vmem_shared>>) target(%dma_start3A_80 : memref<128x64xf32, #tpu.memory_space<vmem>>) offsets(%dma_start3A_83 : memref<128xi32, #tpu.memory_space<vmem>>) semaphore(%arg13 : memref<!tpu.dma_semaphore, #tpu.memory_space<semaphore_mem>>)
      %run_scoped3A_87 = arith.constant 0 : i32
      "tpu.region"() ({
        %run_scoped3A_104 = tpu.sem_alloc : memref<!tpu.dma_semaphore, #tpu.memory_space<semaphore_mem>>
        %dma_start3A_105 = arith.constant 0 : i32
        %dma_start3A_106 = arith.constant 0 : i32
        %dma_start3A_107 = tpu.memref_slice %arg9[%run_scoped3A_87, %dma_start3A_105, %dma_start3A_106] : memref<2x128x64xf32, #tpu.memory_space<vmem>> -> memref<1x128x64xf32, #tpu.memory_space<vmem>>
        %dma_start3A_108 = tpu.memref_squeeze %dma_start3A_107 : memref<1x128x64xf32, #tpu.memory_space<vmem>> -> memref<128x64xf32, #tpu.memory_space<vmem>>
        %dma_start3A_109 = arith.constant 0 : i32
        %dma_start3A_110 = tpu.memref_slice %arg8[%mul3A_63, %dma_start3A_109] : memref<80x128xi32, #tpu.memory_space<vmem>> -> memref<1x128xi32, #tpu.memory_space<vmem>>
        %dma_start3A_111 = tpu.memref_squeeze %dma_start3A_110 : memref<1x128xi32, #tpu.memory_space<vmem>> -> memref<128xi32, #tpu.memory_space<vmem>>
        %dma_start3A_112 = arith.constant 0 : i32
        %dma_start3A_113 = arith.constant 0 : i32
        %dma_start3A_114 = tpu.memref_slice %arg11[%dma_start3A_112, %dma_start3A_113] : memref<10112x64xf32, #tpu.memory_space<vmem_shared>> -> memref<10112x64xf32, #tpu.memory_space<vmem_shared>>
        tpu.enqueue_indirect_dma source(%dma_start3A_108 : memref<128x64xf32, #tpu.memory_space<vmem>>) target(%dma_start3A_114 : memref<10112x64xf32, #tpu.memory_space<vmem_shared>>) offsets(%dma_start3A_111 : memref<128xi32, #tpu.memory_space<vmem>>) semaphore(%run_scoped3A_104 : memref<!tpu.dma_semaphore, #tpu.memory_space<semaphore_mem>>) {add = true}
        %dma_wait3A_115 = arith.constant 0 : i32
        %dma_wait3A_116 = arith.constant 0 : i32
        %dma_wait3A_117 = tpu.memref_slice %arg9[%run_scoped3A_87, %dma_wait3A_115, %dma_wait3A_116] : memref<2x128x64xf32, #tpu.memory_space<vmem>> -> memref<1x128x64xf32, #tpu.memory_space<vmem>>
        %dma_wait3A_118 = tpu.memref_squeeze %dma_wait3A_117 : memref<1x128x64xf32, #tpu.memory_space<vmem>> -> memref<128x64xf32, #tpu.memory_space<vmem>>
        %dma_wait3A_119 = arith.constant 0 : i32
        %dma_wait3A_120 = tpu.memref_slice %arg8[%mul3A_63, %dma_wait3A_119] : memref<80x128xi32, #tpu.memory_space<vmem>> -> memref<1x128xi32, #tpu.memory_space<vmem>>
        %dma_wait3A_121 = tpu.memref_squeeze %dma_wait3A_120 : memref<1x128xi32, #tpu.memory_space<vmem>> -> memref<128xi32, #tpu.memory_space<vmem>>
        %dma_wait3A_122 = arith.constant 0 : i32
        %dma_wait3A_123 = arith.constant 0 : i32
        %dma_wait3A_124 = tpu.memref_slice %arg11[%dma_wait3A_122, %dma_wait3A_123] : memref<10112x64xf32, #tpu.memory_space<vmem_shared>> -> memref<10112x64xf32, #tpu.memory_space<vmem_shared>>
        tpu.wait_indirect_dma semaphore(%run_scoped3A_104 : memref<!tpu.dma_semaphore, #tpu.memory_space<semaphore_mem>>) src(%dma_wait3A_118 : memref<128x64xf32, #tpu.memory_space<vmem>>) dst(%dma_wait3A_124 : memref<10112x64xf32, #tpu.memory_space<vmem_shared>>)
        tpu.yield
      }) : () -> ()
      %dma_wait3A_88 = arith.constant 1 : i32
      %dma_wait3A_89 = arith.constant 0 : i32
      %dma_wait3A_90 = arith.constant 0 : i32
      %dma_wait3A_91 = tpu.memref_slice %arg9[%dma_wait3A_88, %dma_wait3A_89, %dma_wait3A_90] : memref<2x128x64xf32, #tpu.memory_space<vmem>> -> memref<1x128x64xf32, #tpu.memory_space<vmem>>
      %dma_wait3A_92 = tpu.memref_squeeze %dma_wait3A_91 : memref<1x128x64xf32, #tpu.memory_space<vmem>> -> memref<128x64xf32, #tpu.memory_space<vmem>>
      %dma_wait3A_93 = arith.constant 0 : i32
      %dma_wait3A_94 = tpu.memref_slice %arg7[%add3A_65, %dma_wait3A_93] : memref<80x128xi32, #tpu.memory_space<vmem>> -> memref<1x128xi32, #tpu.memory_space<vmem>>
      %dma_wait3A_95 = tpu.memref_squeeze %dma_wait3A_94 : memref<1x128xi32, #tpu.memory_space<vmem>> -> memref<128xi32, #tpu.memory_space<vmem>>
      %dma_wait3A_96 = arith.constant 0 : i32
      %dma_wait3A_97 = arith.constant 0 : i32
      %dma_wait3A_98 = tpu.memref_slice %arg10[%dma_wait3A_96, %dma_wait3A_97] : memref<10112x64xf32, #tpu.memory_space<vmem_shared>> -> memref<10112x64xf32, #tpu.memory_space<vmem_shared>>
      tpu.wait_indirect_dma semaphore(%arg13 : memref<!tpu.dma_semaphore, #tpu.memory_space<semaphore_mem>>) src(%dma_wait3A_98 : memref<10112x64xf32, #tpu.memory_space<vmem_shared>>) dst(%dma_wait3A_92 : memref<128x64xf32, #tpu.memory_space<vmem>>)
      %add3A_99 = arith.constant 1 : i32
      %add3A_100 = arith.addi %scan3A_61, %add3A_99 : i32
      %lt3A = arith.constant 40 : i32
      %lt3A_101 = arith.cmpi slt, %add3A_100, %lt3A : i32
      %convert_element_type3A = arith.extui %lt3A_101 : i1 to i32
      %cond3A = arith.constant 0 : i32
      %cond3A_102 = arith.cmpi ne, %convert_element_type3A, %cond3A : i32
      scf.if %cond3A_102 {
        %add3A_104 = arith.constant 2 : i32
        %add3A_105 = arith.addi %mul3A_63, %add3A_104 : i32
        %dma_start3A_106 = arith.constant 0 : i32
        %dma_start3A_107 = arith.constant 0 : i32
        %dma_start3A_108 = arith.constant 0 : i32
        %dma_start3A_109 = tpu.memref_slice %arg9[%dma_start3A_106, %dma_start3A_107, %dma_start3A_108] : memref<2x128x64xf32, #tpu.memory_space<vmem>> -> memref<1x128x64xf32, #tpu.memory_space<vmem>>
        %dma_start3A_110 = tpu.memref_squeeze %dma_start3A_109 : memref<1x128x64xf32, #tpu.memory_space<vmem>> -> memref<128x64xf32, #tpu.memory_space<vmem>>
        %dma_start3A_111 = arith.constant 0 : i32
        %dma_start3A_112 = tpu.memref_slice %arg7[%add3A_105, %dma_start3A_111] : memref<80x128xi32, #tpu.memory_space<vmem>> -> memref<1x128xi32, #tpu.memory_space<vmem>>
        %dma_start3A_113 = tpu.memref_squeeze %dma_start3A_112 : memref<1x128xi32, #tpu.memory_space<vmem>> -> memref<128xi32, #tpu.memory_space<vmem>>
        %dma_start3A_114 = arith.constant 0 : i32
        %dma_start3A_115 = arith.constant 0 : i32
        %dma_start3A_116 = tpu.memref_slice %arg10[%dma_start3A_114, %dma_start3A_115] : memref<10112x64xf32, #tpu.memory_space<vmem_shared>> -> memref<10112x64xf32, #tpu.memory_space<vmem_shared>>
        tpu.enqueue_indirect_dma source(%dma_start3A_116 : memref<10112x64xf32, #tpu.memory_space<vmem_shared>>) target(%dma_start3A_110 : memref<128x64xf32, #tpu.memory_space<vmem>>) offsets(%dma_start3A_113 : memref<128xi32, #tpu.memory_space<vmem>>) semaphore(%arg12 : memref<!tpu.dma_semaphore, #tpu.memory_space<semaphore_mem>>)
      } else {
      }
      %run_scoped3A_103 = arith.constant 1 : i32
      "tpu.region"() ({
        %run_scoped3A_104 = tpu.sem_alloc : memref<!tpu.dma_semaphore, #tpu.memory_space<semaphore_mem>>
        %dma_start3A_105 = arith.constant 0 : i32
        %dma_start3A_106 = arith.constant 0 : i32
        %dma_start3A_107 = tpu.memref_slice %arg9[%run_scoped3A_103, %dma_start3A_105, %dma_start3A_106] : memref<2x128x64xf32, #tpu.memory_space<vmem>> -> memref<1x128x64xf32, #tpu.memory_space<vmem>>
        %dma_start3A_108 = tpu.memref_squeeze %dma_start3A_107 : memref<1x128x64xf32, #tpu.memory_space<vmem>> -> memref<128x64xf32, #tpu.memory_space<vmem>>
        %dma_start3A_109 = arith.constant 0 : i32
        %dma_start3A_110 = tpu.memref_slice %arg8[%add3A_65, %dma_start3A_109] : memref<80x128xi32, #tpu.memory_space<vmem>> -> memref<1x128xi32, #tpu.memory_space<vmem>>
        %dma_start3A_111 = tpu.memref_squeeze %dma_start3A_110 : memref<1x128xi32, #tpu.memory_space<vmem>> -> memref<128xi32, #tpu.memory_space<vmem>>
        %dma_start3A_112 = arith.constant 0 : i32
        %dma_start3A_113 = arith.constant 0 : i32
        %dma_start3A_114 = tpu.memref_slice %arg11[%dma_start3A_112, %dma_start3A_113] : memref<10112x64xf32, #tpu.memory_space<vmem_shared>> -> memref<10112x64xf32, #tpu.memory_space<vmem_shared>>
        tpu.enqueue_indirect_dma source(%dma_start3A_108 : memref<128x64xf32, #tpu.memory_space<vmem>>) target(%dma_start3A_114 : memref<10112x64xf32, #tpu.memory_space<vmem_shared>>) offsets(%dma_start3A_111 : memref<128xi32, #tpu.memory_space<vmem>>) semaphore(%run_scoped3A_104 : memref<!tpu.dma_semaphore, #tpu.memory_space<semaphore_mem>>) {add = true}
        %dma_wait3A_115 = arith.constant 0 : i32
        %dma_wait3A_116 = arith.constant 0 : i32
        %dma_wait3A_117 = tpu.memref_slice %arg9[%run_scoped3A_103, %dma_wait3A_115, %dma_wait3A_116] : memref<2x128x64xf32, #tpu.memory_space<vmem>> -> memref<1x128x64xf32, #tpu.memory_space<vmem>>
        %dma_wait3A_118 = tpu.memref_squeeze %dma_wait3A_117 : memref<1x128x64xf32, #tpu.memory_space<vmem>> -> memref<128x64xf32, #tpu.memory_space<vmem>>
        %dma_wait3A_119 = arith.constant 0 : i32
        %dma_wait3A_120 = tpu.memref_slice %arg8[%add3A_65, %dma_wait3A_119] : memref<80x128xi32, #tpu.memory_space<vmem>> -> memref<1x128xi32, #tpu.memory_space<vmem>>
        %dma_wait3A_121 = tpu.memref_squeeze %dma_wait3A_120 : memref<1x128xi32, #tpu.memory_space<vmem>> -> memref<128xi32, #tpu.memory_space<vmem>>
        %dma_wait3A_122 = arith.constant 0 : i32
        %dma_wait3A_123 = arith.constant 0 : i32
        %dma_wait3A_124 = tpu.memref_slice %arg11[%dma_wait3A_122, %dma_wait3A_123] : memref<10112x64xf32, #tpu.memory_space<vmem_shared>> -> memref<10112x64xf32, #tpu.memory_space<vmem_shared>>
        tpu.wait_indirect_dma semaphore(%run_scoped3A_104 : memref<!tpu.dma_semaphore, #tpu.memory_space<semaphore_mem>>) src(%dma_wait3A_118 : memref<128x64xf32, #tpu.memory_space<vmem>>) dst(%dma_wait3A_124 : memref<10112x64xf32, #tpu.memory_space<vmem_shared>>)
        tpu.yield
      }) : () -> ()
    }
    %scan3A_54 = arith.constant 40 : i32
    %barrier3A_55 = arith.constant 0 : index
    tpu.barrier barrier_id(%barrier3A_55)
    %mul3A_56 = arith.constant 632 : i32
    %mul3A_57 = arith.muli %arg1, %mul3A_56 : i32
    %mul3A_58 = arith.constant 632 : i32
    %mul3A_59 = arith.muli %arg1, %mul3A_58 : i32
    %run_scoped3A_60 = arith.constant 1 : i32
    "tpu.region"() ({
      %run_scoped3A_61 = tpu.sem_alloc : memref<!tpu.dma_semaphore, #tpu.memory_space<semaphore_mem>>
      %dma_start3A_62 = arith.constant 0 : i32
      %dma_start3A_63 = tpu.memref_slice %arg6[%arg0, %run_scoped3A_60, %mul3A_59, %dma_start3A_62] : memref<2x2x10112x64xf32, #tpu.memory_space<hbm>> -> memref<1x1x632x64xf32, #tpu.memory_space<hbm>>
      %dma_start3A_64 = tpu.memref_squeeze %dma_start3A_63 : memref<1x1x632x64xf32, #tpu.memory_space<hbm>> -> memref<632x64xf32, #tpu.memory_space<hbm>>
      %dma_start3A_65 = arith.constant 0 : i32
      %dma_start3A_66 = tpu.memref_slice %arg11[%mul3A_57, %dma_start3A_65] : memref<10112x64xf32, #tpu.memory_space<vmem_shared>> -> memref<632x64xf32, #tpu.memory_space<vmem_shared>>
      tpu.enqueue_dma source(%dma_start3A_66 : memref<632x64xf32, #tpu.memory_space<vmem_shared>>) target(%dma_start3A_64 : memref<632x64xf32, #tpu.memory_space<hbm>>) target_semaphore(%run_scoped3A_61 : memref<!tpu.dma_semaphore, #tpu.memory_space<semaphore_mem>>)
      %dma_wait3A = arith.constant 0 : i32
      %dma_wait3A_67 = tpu.memref_slice %arg6[%arg0, %run_scoped3A_60, %mul3A_59, %dma_wait3A] : memref<2x2x10112x64xf32, #tpu.memory_space<hbm>> -> memref<1x1x632x64xf32, #tpu.memory_space<hbm>>
      %dma_wait3A_68 = tpu.memref_squeeze %dma_wait3A_67 : memref<1x1x632x64xf32, #tpu.memory_space<hbm>> -> memref<632x64xf32, #tpu.memory_space<hbm>>
      %dma_wait3A_69 = arith.constant 0 : i32
      %dma_wait3A_70 = tpu.memref_slice %arg11[%mul3A_57, %dma_wait3A_69] : memref<10112x64xf32, #tpu.memory_space<vmem_shared>> -> memref<632x64xf32, #tpu.memory_space<vmem_shared>>
      tpu.wait_dma2 semaphore(%run_scoped3A_61 : memref<!tpu.dma_semaphore, #tpu.memory_space<semaphore_mem>>) src(%dma_wait3A_70 : memref<632x64xf32, #tpu.memory_space<vmem_shared>>) dst(%dma_wait3A_68 : memref<632x64xf32, #tpu.memory_space<hbm>>)
      tpu.yield
    }) : () -> ()
    return
  }
}

#map = affine_map<(d0, d1) -> (0, 0)>
#map1 = affine_map<(d0, d1) -> (0, 0, 0)>
module attributes {stable_mosaic.version = 14 : i64} {
  func.func @k(%arg0: i32, %arg1: i32, %arg2: memref<10112x64xf32, #tpu.memory_space<hbm>>, %arg3: memref<32x80x128xi32, #tpu.memory_space<hbm>>, %arg4: memref<32x80x128xi32, #tpu.memory_space<hbm>>, %arg5: memref<632x64xf32, #tpu.memory_space<hbm>>, %arg6: memref<2x10112x64xf32, #tpu.memory_space<hbm>>, %arg7: memref<80x128xi32, #tpu.memory_space<vmem>>, %arg8: memref<80x128xi32, #tpu.memory_space<vmem>>, %arg9: memref<2x128x64xf32, #tpu.memory_space<vmem>>, %arg10: memref<10112x64xf32, #tpu.memory_space<vmem_shared>>, %arg11: memref<10112x64xf32, #tpu.memory_space<vmem_shared>>, %arg12: memref<!tpu.dma_semaphore, #tpu.memory_space<semaphore_mem>>, %arg13: memref<!tpu.dma_semaphore, #tpu.memory_space<semaphore_mem>>) attributes {dimension_semantics = [#tpu.dimension_semantics<core_parallel>, #tpu.dimension_semantics<subcore_parallel>], iteration_bounds = array<i64: 2, 16>, scalar_prefetch = 0 : i64, scratch_operands = 7 : i64, tpu.core_type = #tpu.core_type<sc_vector_subcore>, window_params = [{transform_indices = #map}, {transform_indices = #map1}, {transform_indices = #map1}, {transform_indices = #map}, {transform_indices = #map1}]} {
    %mul3A = arith.constant 16 : i32
    %mul3A_0 = arith.muli %arg0, %mul3A : i32
    %add3A = arith.addi %mul3A_0, %arg1 : i32
    "tpu.region"() ({
      %run_scoped3A = tpu.sem_alloc : memref<!tpu.dma_semaphore, #tpu.memory_space<semaphore_mem>>
      %dma_start3A_28 = arith.constant 0 : i32
      %dma_start3A_29 = arith.constant 0 : i32
      %dma_start3A_30 = tpu.memref_slice %arg3[%add3A, %dma_start3A_28, %dma_start3A_29] : memref<32x80x128xi32, #tpu.memory_space<hbm>> -> memref<1x80x128xi32, #tpu.memory_space<hbm>>
      %dma_start3A_31 = tpu.memref_squeeze %dma_start3A_30 : memref<1x80x128xi32, #tpu.memory_space<hbm>> -> memref<80x128xi32, #tpu.memory_space<hbm>>
      %dma_start3A_32 = arith.constant 0 : i32
      %dma_start3A_33 = arith.constant 0 : i32
      %dma_start3A_34 = tpu.memref_slice %arg3[%add3A, %dma_start3A_32, %dma_start3A_33] : memref<32x80x128xi32, #tpu.memory_space<hbm>> -> memref<1x80x128xi32, #tpu.memory_space<hbm>>
      %dma_start3A_35 = tpu.memref_squeeze %dma_start3A_34 : memref<1x80x128xi32, #tpu.memory_space<hbm>> -> memref<80x128xi32, #tpu.memory_space<hbm>>
      tpu.enqueue_dma source(%dma_start3A_35 : memref<80x128xi32, #tpu.memory_space<hbm>>) target(%arg7 : memref<80x128xi32, #tpu.memory_space<vmem>>) target_semaphore(%run_scoped3A : memref<!tpu.dma_semaphore, #tpu.memory_space<semaphore_mem>>)
      %dma_wait3A = arith.constant 0 : i32
      %dma_wait3A_36 = arith.constant 0 : i32
      %dma_wait3A_37 = tpu.memref_slice %arg3[%add3A, %dma_wait3A, %dma_wait3A_36] : memref<32x80x128xi32, #tpu.memory_space<hbm>> -> memref<1x80x128xi32, #tpu.memory_space<hbm>>
      %dma_wait3A_38 = tpu.memref_squeeze %dma_wait3A_37 : memref<1x80x128xi32, #tpu.memory_space<hbm>> -> memref<80x128xi32, #tpu.memory_space<hbm>>
      %dma_wait3A_39 = arith.constant 0 : i32
      %dma_wait3A_40 = arith.constant 0 : i32
      %dma_wait3A_41 = tpu.memref_slice %arg3[%add3A, %dma_wait3A_39, %dma_wait3A_40] : memref<32x80x128xi32, #tpu.memory_space<hbm>> -> memref<1x80x128xi32, #tpu.memory_space<hbm>>
      %dma_wait3A_42 = tpu.memref_squeeze %dma_wait3A_41 : memref<1x80x128xi32, #tpu.memory_space<hbm>> -> memref<80x128xi32, #tpu.memory_space<hbm>>
      tpu.wait_dma2 semaphore(%run_scoped3A : memref<!tpu.dma_semaphore, #tpu.memory_space<semaphore_mem>>) src(%dma_wait3A_42 : memref<80x128xi32, #tpu.memory_space<hbm>>) dst(%arg7 : memref<80x128xi32, #tpu.memory_space<vmem>>)
      tpu.yield
    }) : () -> ()
    "tpu.region"() ({
      %run_scoped3A = tpu.sem_alloc : memref<!tpu.dma_semaphore, #tpu.memory_space<semaphore_mem>>
      %dma_start3A_28 = arith.constant 0 : i32
      %dma_start3A_29 = arith.constant 0 : i32
      %dma_start3A_30 = tpu.memref_slice %arg4[%add3A, %dma_start3A_28, %dma_start3A_29] : memref<32x80x128xi32, #tpu.memory_space<hbm>> -> memref<1x80x128xi32, #tpu.memory_space<hbm>>
      %dma_start3A_31 = tpu.memref_squeeze %dma_start3A_30 : memref<1x80x128xi32, #tpu.memory_space<hbm>> -> memref<80x128xi32, #tpu.memory_space<hbm>>
      %dma_start3A_32 = arith.constant 0 : i32
      %dma_start3A_33 = arith.constant 0 : i32
      %dma_start3A_34 = tpu.memref_slice %arg4[%add3A, %dma_start3A_32, %dma_start3A_33] : memref<32x80x128xi32, #tpu.memory_space<hbm>> -> memref<1x80x128xi32, #tpu.memory_space<hbm>>
      %dma_start3A_35 = tpu.memref_squeeze %dma_start3A_34 : memref<1x80x128xi32, #tpu.memory_space<hbm>> -> memref<80x128xi32, #tpu.memory_space<hbm>>
      tpu.enqueue_dma source(%dma_start3A_35 : memref<80x128xi32, #tpu.memory_space<hbm>>) target(%arg8 : memref<80x128xi32, #tpu.memory_space<vmem>>) target_semaphore(%run_scoped3A : memref<!tpu.dma_semaphore, #tpu.memory_space<semaphore_mem>>)
      %dma_wait3A = arith.constant 0 : i32
      %dma_wait3A_36 = arith.constant 0 : i32
      %dma_wait3A_37 = tpu.memref_slice %arg4[%add3A, %dma_wait3A, %dma_wait3A_36] : memref<32x80x128xi32, #tpu.memory_space<hbm>> -> memref<1x80x128xi32, #tpu.memory_space<hbm>>
      %dma_wait3A_38 = tpu.memref_squeeze %dma_wait3A_37 : memref<1x80x128xi32, #tpu.memory_space<hbm>> -> memref<80x128xi32, #tpu.memory_space<hbm>>
      %dma_wait3A_39 = arith.constant 0 : i32
      %dma_wait3A_40 = arith.constant 0 : i32
      %dma_wait3A_41 = tpu.memref_slice %arg4[%add3A, %dma_wait3A_39, %dma_wait3A_40] : memref<32x80x128xi32, #tpu.memory_space<hbm>> -> memref<1x80x128xi32, #tpu.memory_space<hbm>>
      %dma_wait3A_42 = tpu.memref_squeeze %dma_wait3A_41 : memref<1x80x128xi32, #tpu.memory_space<hbm>> -> memref<80x128xi32, #tpu.memory_space<hbm>>
      tpu.wait_dma2 semaphore(%run_scoped3A : memref<!tpu.dma_semaphore, #tpu.memory_space<semaphore_mem>>) src(%dma_wait3A_42 : memref<80x128xi32, #tpu.memory_space<hbm>>) dst(%arg8 : memref<80x128xi32, #tpu.memory_space<vmem>>)
      tpu.yield
    }) : () -> ()
    %mul3A_1 = arith.constant 632 : i32
    %mul3A_2 = arith.muli %arg1, %mul3A_1 : i32
    %mul3A_3 = arith.constant 632 : i32
    %mul3A_4 = arith.muli %arg1, %mul3A_3 : i32
    "tpu.region"() ({
      %run_scoped3A = tpu.sem_alloc : memref<!tpu.dma_semaphore, #tpu.memory_space<semaphore_mem>>
      %dma_start3A_28 = arith.constant 0 : i32
      %dma_start3A_29 = tpu.memref_slice %arg10[%mul3A_4, %dma_start3A_28] : memref<10112x64xf32, #tpu.memory_space<vmem_shared>> -> memref<632x64xf32, #tpu.memory_space<vmem_shared>>
      %dma_start3A_30 = arith.constant 0 : i32
      %dma_start3A_31 = tpu.memref_slice %arg2[%mul3A_2, %dma_start3A_30] : memref<10112x64xf32, #tpu.memory_space<hbm>> -> memref<632x64xf32, #tpu.memory_space<hbm>>
      tpu.enqueue_dma source(%dma_start3A_31 : memref<632x64xf32, #tpu.memory_space<hbm>>) target(%dma_start3A_29 : memref<632x64xf32, #tpu.memory_space<vmem_shared>>) target_semaphore(%run_scoped3A : memref<!tpu.dma_semaphore, #tpu.memory_space<semaphore_mem>>)
      %dma_wait3A = arith.constant 0 : i32
      %dma_wait3A_32 = tpu.memref_slice %arg10[%mul3A_4, %dma_wait3A] : memref<10112x64xf32, #tpu.memory_space<vmem_shared>> -> memref<632x64xf32, #tpu.memory_space<vmem_shared>>
      %dma_wait3A_33 = arith.constant 0 : i32
      %dma_wait3A_34 = tpu.memref_slice %arg2[%mul3A_2, %dma_wait3A_33] : memref<10112x64xf32, #tpu.memory_space<hbm>> -> memref<632x64xf32, #tpu.memory_space<hbm>>
      tpu.wait_dma2 semaphore(%run_scoped3A : memref<!tpu.dma_semaphore, #tpu.memory_space<semaphore_mem>>) src(%dma_wait3A_34 : memref<632x64xf32, #tpu.memory_space<hbm>>) dst(%dma_wait3A_32 : memref<632x64xf32, #tpu.memory_space<vmem_shared>>)
      tpu.yield
    }) : () -> ()
    %mul3A_5 = arith.constant 632 : i32
    %mul3A_6 = arith.muli %arg1, %mul3A_5 : i32
    "tpu.region"() ({
      %run_scoped3A = tpu.sem_alloc : memref<!tpu.dma_semaphore, #tpu.memory_space<semaphore_mem>>
      %dma_start3A_28 = arith.constant 0 : i32
      %dma_start3A_29 = tpu.memref_slice %arg11[%mul3A_6, %dma_start3A_28] : memref<10112x64xf32, #tpu.memory_space<vmem_shared>> -> memref<632x64xf32, #tpu.memory_space<vmem_shared>>
      tpu.enqueue_dma source(%arg5 : memref<632x64xf32, #tpu.memory_space<hbm>>) target(%dma_start3A_29 : memref<632x64xf32, #tpu.memory_space<vmem_shared>>) target_semaphore(%run_scoped3A : memref<!tpu.dma_semaphore, #tpu.memory_space<semaphore_mem>>)
      %dma_wait3A = arith.constant 0 : i32
      %dma_wait3A_30 = tpu.memref_slice %arg11[%mul3A_6, %dma_wait3A] : memref<10112x64xf32, #tpu.memory_space<vmem_shared>> -> memref<632x64xf32, #tpu.memory_space<vmem_shared>>
      tpu.wait_dma2 semaphore(%run_scoped3A : memref<!tpu.dma_semaphore, #tpu.memory_space<semaphore_mem>>) src(%arg5 : memref<632x64xf32, #tpu.memory_space<hbm>>) dst(%dma_wait3A_30 : memref<632x64xf32, #tpu.memory_space<vmem_shared>>)
      tpu.yield
    }) : () -> ()
    %barrier3A = arith.constant 0 : index
    tpu.barrier barrier_id(%barrier3A)
    %dma_start3A = arith.constant 0 : i32
    %dma_start3A_7 = arith.constant 0 : i32
    %dma_start3A_8 = arith.constant 0 : i32
    %dma_start3A_9 = arith.constant 0 : i32
    %dma_start3A_10 = tpu.memref_slice %arg9[%dma_start3A_7, %dma_start3A_8, %dma_start3A_9] : memref<2x128x64xf32, #tpu.memory_space<vmem>> -> memref<1x128x64xf32, #tpu.memory_space<vmem>>
    %dma_start3A_11 = tpu.memref_squeeze %dma_start3A_10 : memref<1x128x64xf32, #tpu.memory_space<vmem>> -> memref<128x64xf32, #tpu.memory_space<vmem>>
    %dma_start3A_12 = arith.constant 0 : i32
    %dma_start3A_13 = tpu.memref_slice %arg7[%dma_start3A, %dma_start3A_12] : memref<80x128xi32, #tpu.memory_space<vmem>> -> memref<1x128xi32, #tpu.memory_space<vmem>>
    %dma_start3A_14 = tpu.memref_squeeze %dma_start3A_13 : memref<1x128xi32, #tpu.memory_space<vmem>> -> memref<128xi32, #tpu.memory_space<vmem>>
    %dma_start3A_15 = arith.constant 0 : i32
    %dma_start3A_16 = arith.constant 0 : i32
    %dma_start3A_17 = tpu.memref_slice %arg10[%dma_start3A_15, %dma_start3A_16] : memref<10112x64xf32, #tpu.memory_space<vmem_shared>> -> memref<10112x64xf32, #tpu.memory_space<vmem_shared>>
    tpu.enqueue_indirect_dma source(%dma_start3A_17 : memref<10112x64xf32, #tpu.memory_space<vmem_shared>>) target(%dma_start3A_11 : memref<128x64xf32, #tpu.memory_space<vmem>>) offsets(%dma_start3A_14 : memref<128xi32, #tpu.memory_space<vmem>>) semaphore(%arg12 : memref<!tpu.dma_semaphore, #tpu.memory_space<semaphore_mem>>)
    %scan3A = arith.constant 0 : i32
    %scan3A_18 = arith.constant 0 : i32
    %scan3A_19 = arith.constant 40 : i32
    %scan3A_20 = arith.addi %scan3A_18, %scan3A_19 : i32
    %scan3A_21 = arith.constant 1 : i32
    scf.for %scan3A_28 = %scan3A_18 to %scan3A_20 step %scan3A_21  : i32 {
      %mul3A_29 = arith.constant 2 : i32
      %mul3A_30 = arith.muli %mul3A_29, %scan3A_28 : i32
      %add3A_31 = arith.constant 1 : i32
      %add3A_32 = arith.addi %mul3A_30, %add3A_31 : i32
      %dma_wait3A = arith.constant 0 : i32
      %dma_wait3A_33 = arith.constant 0 : i32
      %dma_wait3A_34 = arith.constant 0 : i32
      %dma_wait3A_35 = tpu.memref_slice %arg9[%dma_wait3A, %dma_wait3A_33, %dma_wait3A_34] : memref<2x128x64xf32, #tpu.memory_space<vmem>> -> memref<1x128x64xf32, #tpu.memory_space<vmem>>
      %dma_wait3A_36 = tpu.memref_squeeze %dma_wait3A_35 : memref<1x128x64xf32, #tpu.memory_space<vmem>> -> memref<128x64xf32, #tpu.memory_space<vmem>>
      %dma_wait3A_37 = arith.constant 0 : i32
      %dma_wait3A_38 = tpu.memref_slice %arg7[%mul3A_30, %dma_wait3A_37] : memref<80x128xi32, #tpu.memory_space<vmem>> -> memref<1x128xi32, #tpu.memory_space<vmem>>
      %dma_wait3A_39 = tpu.memref_squeeze %dma_wait3A_38 : memref<1x128xi32, #tpu.memory_space<vmem>> -> memref<128xi32, #tpu.memory_space<vmem>>
      %dma_wait3A_40 = arith.constant 0 : i32
      %dma_wait3A_41 = arith.constant 0 : i32
      %dma_wait3A_42 = tpu.memref_slice %arg10[%dma_wait3A_40, %dma_wait3A_41] : memref<10112x64xf32, #tpu.memory_space<vmem_shared>> -> memref<10112x64xf32, #tpu.memory_space<vmem_shared>>
      tpu.wait_indirect_dma semaphore(%arg12 : memref<!tpu.dma_semaphore, #tpu.memory_space<semaphore_mem>>) src(%dma_wait3A_42 : memref<10112x64xf32, #tpu.memory_space<vmem_shared>>) dst(%dma_wait3A_36 : memref<128x64xf32, #tpu.memory_space<vmem>>)
      %dma_start3A_43 = arith.constant 1 : i32
      %dma_start3A_44 = arith.constant 0 : i32
      %dma_start3A_45 = arith.constant 0 : i32
      %dma_start3A_46 = tpu.memref_slice %arg9[%dma_start3A_43, %dma_start3A_44, %dma_start3A_45] : memref<2x128x64xf32, #tpu.memory_space<vmem>> -> memref<1x128x64xf32, #tpu.memory_space<vmem>>
      %dma_start3A_47 = tpu.memref_squeeze %dma_start3A_46 : memref<1x128x64xf32, #tpu.memory_space<vmem>> -> memref<128x64xf32, #tpu.memory_space<vmem>>
      %dma_start3A_48 = arith.constant 0 : i32
      %dma_start3A_49 = tpu.memref_slice %arg7[%add3A_32, %dma_start3A_48] : memref<80x128xi32, #tpu.memory_space<vmem>> -> memref<1x128xi32, #tpu.memory_space<vmem>>
      %dma_start3A_50 = tpu.memref_squeeze %dma_start3A_49 : memref<1x128xi32, #tpu.memory_space<vmem>> -> memref<128xi32, #tpu.memory_space<vmem>>
      %dma_start3A_51 = arith.constant 0 : i32
      %dma_start3A_52 = arith.constant 0 : i32
      %dma_start3A_53 = tpu.memref_slice %arg10[%dma_start3A_51, %dma_start3A_52] : memref<10112x64xf32, #tpu.memory_space<vmem_shared>> -> memref<10112x64xf32, #tpu.memory_space<vmem_shared>>
      tpu.enqueue_indirect_dma source(%dma_start3A_53 : memref<10112x64xf32, #tpu.memory_space<vmem_shared>>) target(%dma_start3A_47 : memref<128x64xf32, #tpu.memory_space<vmem>>) offsets(%dma_start3A_50 : memref<128xi32, #tpu.memory_space<vmem>>) semaphore(%arg13 : memref<!tpu.dma_semaphore, #tpu.memory_space<semaphore_mem>>)
      %run_scoped3A = arith.constant 0 : i32
      "tpu.region"() ({
        %run_scoped3A_70 = tpu.sem_alloc : memref<!tpu.dma_semaphore, #tpu.memory_space<semaphore_mem>>
        %dma_start3A_71 = arith.constant 0 : i32
        %dma_start3A_72 = arith.constant 0 : i32
        %dma_start3A_73 = tpu.memref_slice %arg9[%run_scoped3A, %dma_start3A_71, %dma_start3A_72] : memref<2x128x64xf32, #tpu.memory_space<vmem>> -> memref<1x128x64xf32, #tpu.memory_space<vmem>>
        %dma_start3A_74 = tpu.memref_squeeze %dma_start3A_73 : memref<1x128x64xf32, #tpu.memory_space<vmem>> -> memref<128x64xf32, #tpu.memory_space<vmem>>
        %dma_start3A_75 = arith.constant 0 : i32
        %dma_start3A_76 = tpu.memref_slice %arg8[%mul3A_30, %dma_start3A_75] : memref<80x128xi32, #tpu.memory_space<vmem>> -> memref<1x128xi32, #tpu.memory_space<vmem>>
        %dma_start3A_77 = tpu.memref_squeeze %dma_start3A_76 : memref<1x128xi32, #tpu.memory_space<vmem>> -> memref<128xi32, #tpu.memory_space<vmem>>
        %dma_start3A_78 = arith.constant 0 : i32
        %dma_start3A_79 = arith.constant 0 : i32
        %dma_start3A_80 = tpu.memref_slice %arg11[%dma_start3A_78, %dma_start3A_79] : memref<10112x64xf32, #tpu.memory_space<vmem_shared>> -> memref<10112x64xf32, #tpu.memory_space<vmem_shared>>
        tpu.enqueue_indirect_dma source(%dma_start3A_74 : memref<128x64xf32, #tpu.memory_space<vmem>>) target(%dma_start3A_80 : memref<10112x64xf32, #tpu.memory_space<vmem_shared>>) offsets(%dma_start3A_77 : memref<128xi32, #tpu.memory_space<vmem>>) semaphore(%run_scoped3A_70 : memref<!tpu.dma_semaphore, #tpu.memory_space<semaphore_mem>>) {add = true}
        %dma_wait3A_81 = arith.constant 0 : i32
        %dma_wait3A_82 = arith.constant 0 : i32
        %dma_wait3A_83 = tpu.memref_slice %arg9[%run_scoped3A, %dma_wait3A_81, %dma_wait3A_82] : memref<2x128x64xf32, #tpu.memory_space<vmem>> -> memref<1x128x64xf32, #tpu.memory_space<vmem>>
        %dma_wait3A_84 = tpu.memref_squeeze %dma_wait3A_83 : memref<1x128x64xf32, #tpu.memory_space<vmem>> -> memref<128x64xf32, #tpu.memory_space<vmem>>
        %dma_wait3A_85 = arith.constant 0 : i32
        %dma_wait3A_86 = tpu.memref_slice %arg8[%mul3A_30, %dma_wait3A_85] : memref<80x128xi32, #tpu.memory_space<vmem>> -> memref<1x128xi32, #tpu.memory_space<vmem>>
        %dma_wait3A_87 = tpu.memref_squeeze %dma_wait3A_86 : memref<1x128xi32, #tpu.memory_space<vmem>> -> memref<128xi32, #tpu.memory_space<vmem>>
        %dma_wait3A_88 = arith.constant 0 : i32
        %dma_wait3A_89 = arith.constant 0 : i32
        %dma_wait3A_90 = tpu.memref_slice %arg11[%dma_wait3A_88, %dma_wait3A_89] : memref<10112x64xf32, #tpu.memory_space<vmem_shared>> -> memref<10112x64xf32, #tpu.memory_space<vmem_shared>>
        tpu.wait_indirect_dma semaphore(%run_scoped3A_70 : memref<!tpu.dma_semaphore, #tpu.memory_space<semaphore_mem>>) src(%dma_wait3A_84 : memref<128x64xf32, #tpu.memory_space<vmem>>) dst(%dma_wait3A_90 : memref<10112x64xf32, #tpu.memory_space<vmem_shared>>)
        tpu.yield
      }) : () -> ()
      %dma_wait3A_54 = arith.constant 1 : i32
      %dma_wait3A_55 = arith.constant 0 : i32
      %dma_wait3A_56 = arith.constant 0 : i32
      %dma_wait3A_57 = tpu.memref_slice %arg9[%dma_wait3A_54, %dma_wait3A_55, %dma_wait3A_56] : memref<2x128x64xf32, #tpu.memory_space<vmem>> -> memref<1x128x64xf32, #tpu.memory_space<vmem>>
      %dma_wait3A_58 = tpu.memref_squeeze %dma_wait3A_57 : memref<1x128x64xf32, #tpu.memory_space<vmem>> -> memref<128x64xf32, #tpu.memory_space<vmem>>
      %dma_wait3A_59 = arith.constant 0 : i32
      %dma_wait3A_60 = tpu.memref_slice %arg7[%add3A_32, %dma_wait3A_59] : memref<80x128xi32, #tpu.memory_space<vmem>> -> memref<1x128xi32, #tpu.memory_space<vmem>>
      %dma_wait3A_61 = tpu.memref_squeeze %dma_wait3A_60 : memref<1x128xi32, #tpu.memory_space<vmem>> -> memref<128xi32, #tpu.memory_space<vmem>>
      %dma_wait3A_62 = arith.constant 0 : i32
      %dma_wait3A_63 = arith.constant 0 : i32
      %dma_wait3A_64 = tpu.memref_slice %arg10[%dma_wait3A_62, %dma_wait3A_63] : memref<10112x64xf32, #tpu.memory_space<vmem_shared>> -> memref<10112x64xf32, #tpu.memory_space<vmem_shared>>
      tpu.wait_indirect_dma semaphore(%arg13 : memref<!tpu.dma_semaphore, #tpu.memory_space<semaphore_mem>>) src(%dma_wait3A_64 : memref<10112x64xf32, #tpu.memory_space<vmem_shared>>) dst(%dma_wait3A_58 : memref<128x64xf32, #tpu.memory_space<vmem>>)
      %add3A_65 = arith.constant 1 : i32
      %add3A_66 = arith.addi %scan3A_28, %add3A_65 : i32
      %lt3A = arith.constant 40 : i32
      %lt3A_67 = arith.cmpi slt, %add3A_66, %lt3A : i32
      %convert_element_type3A = arith.extui %lt3A_67 : i1 to i32
      %cond3A = arith.constant 0 : i32
      %cond3A_68 = arith.cmpi ne, %convert_element_type3A, %cond3A : i32
      scf.if %cond3A_68 {
        %add3A_70 = arith.constant 2 : i32
        %add3A_71 = arith.addi %mul3A_30, %add3A_70 : i32
        %dma_start3A_72 = arith.constant 0 : i32
        %dma_start3A_73 = arith.constant 0 : i32
        %dma_start3A_74 = arith.constant 0 : i32
        %dma_start3A_75 = tpu.memref_slice %arg9[%dma_start3A_72, %dma_start3A_73, %dma_start3A_74] : memref<2x128x64xf32, #tpu.memory_space<vmem>> -> memref<1x128x64xf32, #tpu.memory_space<vmem>>
        %dma_start3A_76 = tpu.memref_squeeze %dma_start3A_75 : memref<1x128x64xf32, #tpu.memory_space<vmem>> -> memref<128x64xf32, #tpu.memory_space<vmem>>
        %dma_start3A_77 = arith.constant 0 : i32
        %dma_start3A_78 = tpu.memref_slice %arg7[%add3A_71, %dma_start3A_77] : memref<80x128xi32, #tpu.memory_space<vmem>> -> memref<1x128xi32, #tpu.memory_space<vmem>>
        %dma_start3A_79 = tpu.memref_squeeze %dma_start3A_78 : memref<1x128xi32, #tpu.memory_space<vmem>> -> memref<128xi32, #tpu.memory_space<vmem>>
        %dma_start3A_80 = arith.constant 0 : i32
        %dma_start3A_81 = arith.constant 0 : i32
        %dma_start3A_82 = tpu.memref_slice %arg10[%dma_start3A_80, %dma_start3A_81] : memref<10112x64xf32, #tpu.memory_space<vmem_shared>> -> memref<10112x64xf32, #tpu.memory_space<vmem_shared>>
        tpu.enqueue_indirect_dma source(%dma_start3A_82 : memref<10112x64xf32, #tpu.memory_space<vmem_shared>>) target(%dma_start3A_76 : memref<128x64xf32, #tpu.memory_space<vmem>>) offsets(%dma_start3A_79 : memref<128xi32, #tpu.memory_space<vmem>>) semaphore(%arg12 : memref<!tpu.dma_semaphore, #tpu.memory_space<semaphore_mem>>)
      } else {
      }
      %run_scoped3A_69 = arith.constant 1 : i32
      "tpu.region"() ({
        %run_scoped3A_70 = tpu.sem_alloc : memref<!tpu.dma_semaphore, #tpu.memory_space<semaphore_mem>>
        %dma_start3A_71 = arith.constant 0 : i32
        %dma_start3A_72 = arith.constant 0 : i32
        %dma_start3A_73 = tpu.memref_slice %arg9[%run_scoped3A_69, %dma_start3A_71, %dma_start3A_72] : memref<2x128x64xf32, #tpu.memory_space<vmem>> -> memref<1x128x64xf32, #tpu.memory_space<vmem>>
        %dma_start3A_74 = tpu.memref_squeeze %dma_start3A_73 : memref<1x128x64xf32, #tpu.memory_space<vmem>> -> memref<128x64xf32, #tpu.memory_space<vmem>>
        %dma_start3A_75 = arith.constant 0 : i32
        %dma_start3A_76 = tpu.memref_slice %arg8[%add3A_32, %dma_start3A_75] : memref<80x128xi32, #tpu.memory_space<vmem>> -> memref<1x128xi32, #tpu.memory_space<vmem>>
        %dma_start3A_77 = tpu.memref_squeeze %dma_start3A_76 : memref<1x128xi32, #tpu.memory_space<vmem>> -> memref<128xi32, #tpu.memory_space<vmem>>
        %dma_start3A_78 = arith.constant 0 : i32
        %dma_start3A_79 = arith.constant 0 : i32
        %dma_start3A_80 = tpu.memref_slice %arg11[%dma_start3A_78, %dma_start3A_79] : memref<10112x64xf32, #tpu.memory_space<vmem_shared>> -> memref<10112x64xf32, #tpu.memory_space<vmem_shared>>
        tpu.enqueue_indirect_dma source(%dma_start3A_74 : memref<128x64xf32, #tpu.memory_space<vmem>>) target(%dma_start3A_80 : memref<10112x64xf32, #tpu.memory_space<vmem_shared>>) offsets(%dma_start3A_77 : memref<128xi32, #tpu.memory_space<vmem>>) semaphore(%run_scoped3A_70 : memref<!tpu.dma_semaphore, #tpu.memory_space<semaphore_mem>>) {add = true}
        %dma_wait3A_81 = arith.constant 0 : i32
        %dma_wait3A_82 = arith.constant 0 : i32
        %dma_wait3A_83 = tpu.memref_slice %arg9[%run_scoped3A_69, %dma_wait3A_81, %dma_wait3A_82] : memref<2x128x64xf32, #tpu.memory_space<vmem>> -> memref<1x128x64xf32, #tpu.memory_space<vmem>>
        %dma_wait3A_84 = tpu.memref_squeeze %dma_wait3A_83 : memref<1x128x64xf32, #tpu.memory_space<vmem>> -> memref<128x64xf32, #tpu.memory_space<vmem>>
        %dma_wait3A_85 = arith.constant 0 : i32
        %dma_wait3A_86 = tpu.memref_slice %arg8[%add3A_32, %dma_wait3A_85] : memref<80x128xi32, #tpu.memory_space<vmem>> -> memref<1x128xi32, #tpu.memory_space<vmem>>
        %dma_wait3A_87 = tpu.memref_squeeze %dma_wait3A_86 : memref<1x128xi32, #tpu.memory_space<vmem>> -> memref<128xi32, #tpu.memory_space<vmem>>
        %dma_wait3A_88 = arith.constant 0 : i32
        %dma_wait3A_89 = arith.constant 0 : i32
        %dma_wait3A_90 = tpu.memref_slice %arg11[%dma_wait3A_88, %dma_wait3A_89] : memref<10112x64xf32, #tpu.memory_space<vmem_shared>> -> memref<10112x64xf32, #tpu.memory_space<vmem_shared>>
        tpu.wait_indirect_dma semaphore(%run_scoped3A_70 : memref<!tpu.dma_semaphore, #tpu.memory_space<semaphore_mem>>) src(%dma_wait3A_84 : memref<128x64xf32, #tpu.memory_space<vmem>>) dst(%dma_wait3A_90 : memref<10112x64xf32, #tpu.memory_space<vmem_shared>>)
        tpu.yield
      }) : () -> ()
    }
    %scan3A_22 = arith.constant 40 : i32
    %barrier3A_23 = arith.constant 0 : index
    tpu.barrier barrier_id(%barrier3A_23)
    %mul3A_24 = arith.constant 632 : i32
    %mul3A_25 = arith.muli %arg1, %mul3A_24 : i32
    %mul3A_26 = arith.constant 632 : i32
    %mul3A_27 = arith.muli %arg1, %mul3A_26 : i32
    "tpu.region"() ({
      %run_scoped3A = tpu.sem_alloc : memref<!tpu.dma_semaphore, #tpu.memory_space<semaphore_mem>>
      %dma_start3A_28 = arith.constant 0 : i32
      %dma_start3A_29 = tpu.memref_slice %arg6[%arg0, %mul3A_27, %dma_start3A_28] : memref<2x10112x64xf32, #tpu.memory_space<hbm>> -> memref<1x632x64xf32, #tpu.memory_space<hbm>>
      %dma_start3A_30 = tpu.memref_squeeze %dma_start3A_29 : memref<1x632x64xf32, #tpu.memory_space<hbm>> -> memref<632x64xf32, #tpu.memory_space<hbm>>
      %dma_start3A_31 = arith.constant 0 : i32
      %dma_start3A_32 = tpu.memref_slice %arg11[%mul3A_25, %dma_start3A_31] : memref<10112x64xf32, #tpu.memory_space<vmem_shared>> -> memref<632x64xf32, #tpu.memory_space<vmem_shared>>
      tpu.enqueue_dma source(%dma_start3A_32 : memref<632x64xf32, #tpu.memory_space<vmem_shared>>) target(%dma_start3A_30 : memref<632x64xf32, #tpu.memory_space<hbm>>) target_semaphore(%run_scoped3A : memref<!tpu.dma_semaphore, #tpu.memory_space<semaphore_mem>>)
      %dma_wait3A = arith.constant 0 : i32
      %dma_wait3A_33 = tpu.memref_slice %arg6[%arg0, %mul3A_27, %dma_wait3A] : memref<2x10112x64xf32, #tpu.memory_space<hbm>> -> memref<1x632x64xf32, #tpu.memory_space<hbm>>
      %dma_wait3A_34 = tpu.memref_squeeze %dma_wait3A_33 : memref<1x632x64xf32, #tpu.memory_space<hbm>> -> memref<632x64xf32, #tpu.memory_space<hbm>>
      %dma_wait3A_35 = arith.constant 0 : i32
      %dma_wait3A_36 = tpu.memref_slice %arg11[%mul3A_25, %dma_wait3A_35] : memref<10112x64xf32, #tpu.memory_space<vmem_shared>> -> memref<632x64xf32, #tpu.memory_space<vmem_shared>>
      tpu.wait_dma2 semaphore(%run_scoped3A : memref<!tpu.dma_semaphore, #tpu.memory_space<semaphore_mem>>) src(%dma_wait3A_36 : memref<632x64xf32, #tpu.memory_space<vmem_shared>>) dst(%dma_wait3A_34 : memref<632x64xf32, #tpu.memory_space<hbm>>)
      tpu.yield
    }) : () -> ()
    return
  }
}

#map = affine_map<(d0, d1) -> (0, 0, 0)>
#map1 = affine_map<(d0, d1) -> (0, 0)>
module attributes {stable_mosaic.version = 14 : i64} {
  func.func @_deg_count(%arg0: i32, %arg1: i32, %arg2: memref<32x80x128xi32, #tpu.memory_space<hbm>>, %arg3: memref<128x16xf32, #tpu.memory_space<hbm>>, %arg4: memref<632x16xf32, #tpu.memory_space<hbm>>, %arg5: memref<2x10112x16xf32, #tpu.memory_space<hbm>>, %arg6: memref<80x128xi32, #tpu.memory_space<vmem>>, %arg7: memref<128x16xf32, #tpu.memory_space<vmem>>, %arg8: memref<10112x16xf32, #tpu.memory_space<vmem_shared>>) attributes {dimension_semantics = [#tpu.dimension_semantics<core_parallel>, #tpu.dimension_semantics<subcore_parallel>], iteration_bounds = array<i64: 2, 16>, scalar_prefetch = 0 : i64, scratch_operands = 3 : i64, tpu.core_type = #tpu.core_type<sc_vector_subcore>, window_params = [{transform_indices = #map}, {transform_indices = #map1}, {transform_indices = #map1}, {transform_indices = #map}]} {
    %mul3A = arith.constant 16 : i32
    %mul3A_0 = arith.muli %arg0, %mul3A : i32
    %add3A = arith.addi %mul3A_0, %arg1 : i32
    "tpu.region"() ({
      %run_scoped3A = tpu.sem_alloc : memref<!tpu.dma_semaphore, #tpu.memory_space<semaphore_mem>>
      %dma_start3A = arith.constant 0 : i32
      %dma_start3A_13 = arith.constant 0 : i32
      %dma_start3A_14 = tpu.memref_slice %arg2[%add3A, %dma_start3A, %dma_start3A_13] : memref<32x80x128xi32, #tpu.memory_space<hbm>> -> memref<1x80x128xi32, #tpu.memory_space<hbm>>
      %dma_start3A_15 = tpu.memref_squeeze %dma_start3A_14 : memref<1x80x128xi32, #tpu.memory_space<hbm>> -> memref<80x128xi32, #tpu.memory_space<hbm>>
      %dma_start3A_16 = arith.constant 0 : i32
      %dma_start3A_17 = arith.constant 0 : i32
      %dma_start3A_18 = tpu.memref_slice %arg2[%add3A, %dma_start3A_16, %dma_start3A_17] : memref<32x80x128xi32, #tpu.memory_space<hbm>> -> memref<1x80x128xi32, #tpu.memory_space<hbm>>
      %dma_start3A_19 = tpu.memref_squeeze %dma_start3A_18 : memref<1x80x128xi32, #tpu.memory_space<hbm>> -> memref<80x128xi32, #tpu.memory_space<hbm>>
      tpu.enqueue_dma source(%dma_start3A_19 : memref<80x128xi32, #tpu.memory_space<hbm>>) target(%arg6 : memref<80x128xi32, #tpu.memory_space<vmem>>) target_semaphore(%run_scoped3A : memref<!tpu.dma_semaphore, #tpu.memory_space<semaphore_mem>>)
      %dma_wait3A = arith.constant 0 : i32
      %dma_wait3A_20 = arith.constant 0 : i32
      %dma_wait3A_21 = tpu.memref_slice %arg2[%add3A, %dma_wait3A, %dma_wait3A_20] : memref<32x80x128xi32, #tpu.memory_space<hbm>> -> memref<1x80x128xi32, #tpu.memory_space<hbm>>
      %dma_wait3A_22 = tpu.memref_squeeze %dma_wait3A_21 : memref<1x80x128xi32, #tpu.memory_space<hbm>> -> memref<80x128xi32, #tpu.memory_space<hbm>>
      %dma_wait3A_23 = arith.constant 0 : i32
      %dma_wait3A_24 = arith.constant 0 : i32
      %dma_wait3A_25 = tpu.memref_slice %arg2[%add3A, %dma_wait3A_23, %dma_wait3A_24] : memref<32x80x128xi32, #tpu.memory_space<hbm>> -> memref<1x80x128xi32, #tpu.memory_space<hbm>>
      %dma_wait3A_26 = tpu.memref_squeeze %dma_wait3A_25 : memref<1x80x128xi32, #tpu.memory_space<hbm>> -> memref<80x128xi32, #tpu.memory_space<hbm>>
      tpu.wait_dma2 semaphore(%run_scoped3A : memref<!tpu.dma_semaphore, #tpu.memory_space<semaphore_mem>>) src(%dma_wait3A_26 : memref<80x128xi32, #tpu.memory_space<hbm>>) dst(%arg6 : memref<80x128xi32, #tpu.memory_space<vmem>>)
      tpu.yield
    }) : () -> ()
    "tpu.region"() ({
      %run_scoped3A = tpu.sem_alloc : memref<!tpu.dma_semaphore, #tpu.memory_space<semaphore_mem>>
      tpu.enqueue_dma source(%arg3 : memref<128x16xf32, #tpu.memory_space<hbm>>) target(%arg7 : memref<128x16xf32, #tpu.memory_space<vmem>>) target_semaphore(%run_scoped3A : memref<!tpu.dma_semaphore, #tpu.memory_space<semaphore_mem>>)
      tpu.wait_dma2 semaphore(%run_scoped3A : memref<!tpu.dma_semaphore, #tpu.memory_space<semaphore_mem>>) src(%arg3 : memref<128x16xf32, #tpu.memory_space<hbm>>) dst(%arg7 : memref<128x16xf32, #tpu.memory_space<vmem>>)
      tpu.yield
    }) : () -> ()
    %mul3A_1 = arith.constant 632 : i32
    %mul3A_2 = arith.muli %arg1, %mul3A_1 : i32
    "tpu.region"() ({
      %run_scoped3A = tpu.sem_alloc : memref<!tpu.dma_semaphore, #tpu.memory_space<semaphore_mem>>
      %dma_start3A = arith.constant 0 : i32
      %dma_start3A_13 = tpu.memref_slice %arg8[%mul3A_2, %dma_start3A] : memref<10112x16xf32, #tpu.memory_space<vmem_shared>> -> memref<632x16xf32, #tpu.memory_space<vmem_shared>>
      tpu.enqueue_dma source(%arg4 : memref<632x16xf32, #tpu.memory_space<hbm>>) target(%dma_start3A_13 : memref<632x16xf32, #tpu.memory_space<vmem_shared>>) target_semaphore(%run_scoped3A : memref<!tpu.dma_semaphore, #tpu.memory_space<semaphore_mem>>)
      %dma_wait3A = arith.constant 0 : i32
      %dma_wait3A_14 = tpu.memref_slice %arg8[%mul3A_2, %dma_wait3A] : memref<10112x16xf32, #tpu.memory_space<vmem_shared>> -> memref<632x16xf32, #tpu.memory_space<vmem_shared>>
      tpu.wait_dma2 semaphore(%run_scoped3A : memref<!tpu.dma_semaphore, #tpu.memory_space<semaphore_mem>>) src(%arg4 : memref<632x16xf32, #tpu.memory_space<hbm>>) dst(%dma_wait3A_14 : memref<632x16xf32, #tpu.memory_space<vmem_shared>>)
      tpu.yield
    }) : () -> ()
    %barrier3A = arith.constant 0 : index
    tpu.barrier barrier_id(%barrier3A)
    %scan3A = arith.constant 0 : i32
    %scan3A_3 = arith.constant 0 : i32
    %scan3A_4 = arith.constant 80 : i32
    %scan3A_5 = arith.addi %scan3A_3, %scan3A_4 : i32
    %scan3A_6 = arith.constant 1 : i32
    scf.for %scan3A_13 = %scan3A_3 to %scan3A_5 step %scan3A_6  : i32 {
      "tpu.region"() ({
        %run_scoped3A = tpu.sem_alloc : memref<!tpu.dma_semaphore, #tpu.memory_space<semaphore_mem>>
        %dma_start3A = arith.constant 0 : i32
        %dma_start3A_14 = tpu.memref_slice %arg6[%scan3A_13, %dma_start3A] : memref<80x128xi32, #tpu.memory_space<vmem>> -> memref<1x128xi32, #tpu.memory_space<vmem>>
        %dma_start3A_15 = tpu.memref_squeeze %dma_start3A_14 : memref<1x128xi32, #tpu.memory_space<vmem>> -> memref<128xi32, #tpu.memory_space<vmem>>
        %dma_start3A_16 = arith.constant 0 : i32
        %dma_start3A_17 = arith.constant 0 : i32
        %dma_start3A_18 = tpu.memref_slice %arg8[%dma_start3A_16, %dma_start3A_17] : memref<10112x16xf32, #tpu.memory_space<vmem_shared>> -> memref<10112x16xf32, #tpu.memory_space<vmem_shared>>
        tpu.enqueue_indirect_dma source(%arg7 : memref<128x16xf32, #tpu.memory_space<vmem>>) target(%dma_start3A_18 : memref<10112x16xf32, #tpu.memory_space<vmem_shared>>) offsets(%dma_start3A_15 : memref<128xi32, #tpu.memory_space<vmem>>) semaphore(%run_scoped3A : memref<!tpu.dma_semaphore, #tpu.memory_space<semaphore_mem>>) {add = true}
        %dma_wait3A = arith.constant 0 : i32
        %dma_wait3A_19 = tpu.memref_slice %arg6[%scan3A_13, %dma_wait3A] : memref<80x128xi32, #tpu.memory_space<vmem>> -> memref<1x128xi32, #tpu.memory_space<vmem>>
        %dma_wait3A_20 = tpu.memref_squeeze %dma_wait3A_19 : memref<1x128xi32, #tpu.memory_space<vmem>> -> memref<128xi32, #tpu.memory_space<vmem>>
        %dma_wait3A_21 = arith.constant 0 : i32
        %dma_wait3A_22 = arith.constant 0 : i32
        %dma_wait3A_23 = tpu.memref_slice %arg8[%dma_wait3A_21, %dma_wait3A_22] : memref<10112x16xf32, #tpu.memory_space<vmem_shared>> -> memref<10112x16xf32, #tpu.memory_space<vmem_shared>>
        tpu.wait_indirect_dma semaphore(%run_scoped3A : memref<!tpu.dma_semaphore, #tpu.memory_space<semaphore_mem>>) src(%arg7 : memref<128x16xf32, #tpu.memory_space<vmem>>) dst(%dma_wait3A_23 : memref<10112x16xf32, #tpu.memory_space<vmem_shared>>)
        tpu.yield
      }) : () -> ()
    }
    %scan3A_7 = arith.constant 80 : i32
    %barrier3A_8 = arith.constant 0 : index
    tpu.barrier barrier_id(%barrier3A_8)
    %mul3A_9 = arith.constant 632 : i32
    %mul3A_10 = arith.muli %arg1, %mul3A_9 : i32
    %mul3A_11 = arith.constant 632 : i32
    %mul3A_12 = arith.muli %arg1, %mul3A_11 : i32
    "tpu.region"() ({
      %run_scoped3A = tpu.sem_alloc : memref<!tpu.dma_semaphore, #tpu.memory_space<semaphore_mem>>
      %dma_start3A = arith.constant 0 : i32
      %dma_start3A_13 = tpu.memref_slice %arg5[%arg0, %mul3A_12, %dma_start3A] : memref<2x10112x16xf32, #tpu.memory_space<hbm>> -> memref<1x632x16xf32, #tpu.memory_space<hbm>>
      %dma_start3A_14 = tpu.memref_squeeze %dma_start3A_13 : memref<1x632x16xf32, #tpu.memory_space<hbm>> -> memref<632x16xf32, #tpu.memory_space<hbm>>
      %dma_start3A_15 = arith.constant 0 : i32
      %dma_start3A_16 = tpu.memref_slice %arg8[%mul3A_10, %dma_start3A_15] : memref<10112x16xf32, #tpu.memory_space<vmem_shared>> -> memref<632x16xf32, #tpu.memory_space<vmem_shared>>
      tpu.enqueue_dma source(%dma_start3A_16 : memref<632x16xf32, #tpu.memory_space<vmem_shared>>) target(%dma_start3A_14 : memref<632x16xf32, #tpu.memory_space<hbm>>) target_semaphore(%run_scoped3A : memref<!tpu.dma_semaphore, #tpu.memory_space<semaphore_mem>>)
      %dma_wait3A = arith.constant 0 : i32
      %dma_wait3A_17 = tpu.memref_slice %arg5[%arg0, %mul3A_12, %dma_wait3A] : memref<2x10112x16xf32, #tpu.memory_space<hbm>> -> memref<1x632x16xf32, #tpu.memory_space<hbm>>
      %dma_wait3A_18 = tpu.memref_squeeze %dma_wait3A_17 : memref<1x632x16xf32, #tpu.memory_space<hbm>> -> memref<632x16xf32, #tpu.memory_space<hbm>>
      %dma_wait3A_19 = arith.constant 0 : i32
      %dma_wait3A_20 = tpu.memref_slice %arg8[%mul3A_10, %dma_wait3A_19] : memref<10112x16xf32, #tpu.memory_space<vmem_shared>> -> memref<632x16xf32, #tpu.memory_space<vmem_shared>>
      tpu.wait_dma2 semaphore(%run_scoped3A : memref<!tpu.dma_semaphore, #tpu.memory_space<semaphore_mem>>) src(%dma_wait3A_20 : memref<632x16xf32, #tpu.memory_space<vmem_shared>>) dst(%dma_wait3A_18 : memref<632x16xf32, #tpu.memory_space<hbm>>)
      tpu.yield
    }) : () -> ()
    return
  }
}

module attributes {stable_mosaic.version = 14 : i64} {
  func.func @_stage_a_body(%arg0: i32, %arg1: memref<2x2000x16xf32, #tpu.memory_space<vmem>>, %arg2: memref<2000x128xf32, #tpu.memory_space<vmem>>, %arg3: memref<128x128xf32, #tpu.memory_space<vmem>>, %arg4: memref<2000x128xf32, #tpu.memory_space<vmem>>, %arg5: memref<2000x16xf32, #tpu.memory_space<vmem>>) attributes {dimension_semantics = [#tpu.dimension_semantics<arbitrary>], iteration_bounds = array<i64: 5>, scalar_prefetch = 0 : i64, scratch_operands = 0 : i64, tpu.core_type = #tpu.core_type<tc>, window_params = [{transform_indices = @transform_0, window_bounds = array<i64: 2, 2000, 16>}, {transform_indices = @transform_1, window_bounds = array<i64: 2000, 128>}, {pipeline_mode = #tpu.pipeline_mode<synchronous>, transform_indices = @transform_2, window_bounds = array<i64: 128, 128>}, {transform_indices = @transform_3, window_bounds = array<i64: 2000, 128>}, {transform_indices = @transform_4, window_bounds = array<i64: 2000, 16>}]} {
    %get3A = arith.constant 0 : index
    %get3A_0 = arith.constant 0 : index
    %get3A_1 = arith.constant 0 : index
    %get3A_2 = vector.load %arg1[%get3A, %get3A_0, %get3A_1] : memref<2x2000x16xf32, #tpu.memory_space<vmem>>, vector<1x2000x1xf32>
    %get3A_3 = vector.shape_cast %get3A_2 : vector<1x2000x1xf32> to vector<2000x1xf32>
    %get3A_4 = arith.constant 1 : index
    %get3A_5 = arith.constant 0 : index
    %get3A_6 = arith.constant 0 : index
    %get3A_7 = vector.load %arg1[%get3A_4, %get3A_5, %get3A_6] : memref<2x2000x16xf32, #tpu.memory_space<vmem>>, vector<1x2000x1xf32>
    %get3A_8 = vector.shape_cast %get3A_7 : vector<1x2000x1xf32> to vector<2000x1xf32>
    %add3A = arith.addf %get3A_3, %get3A_8 : vector<2000x1xf32>
    %add3A_9 = arith.constant 1.000000e+00 : f32
    %add3A_10 = vector.broadcast %add3A_9 : f32 to vector<2000x1xf32>
    %add3A_11 = arith.addf %add3A, %add3A_10 : vector<2000x1xf32>
    %rsqrt3A = math.rsqrt %add3A_11 : vector<2000x1xf32>
    %broadcast_in_dim3A = vector.shape_cast %rsqrt3A : vector<2000x1xf32> to vector<2000x1xf32>
    %broadcast_in_dim3A_12 = vector.broadcast %broadcast_in_dim3A : vector<2000x1xf32> to vector<2000x16xf32>
    %swap3A = arith.constant 0 : index
    %swap3A_13 = arith.constant 0 : index
    %swap3A_14 = vector.load %arg5[%swap3A, %swap3A_13] : memref<2000x16xf32, #tpu.memory_space<vmem>>, vector<2000x16xf32>
    tpu.vector_store %arg5[%swap3A, %swap3A_13], %broadcast_in_dim3A_12 {strides = array<i32>} : memref<2000x16xf32, #tpu.memory_space<vmem>>, vector<2000x16xf32>,
    %get3A_15 = arith.constant 0 : index
    %get3A_16 = arith.constant 0 : index
    %get3A_17 = vector.load %arg2[%get3A_15, %get3A_16] : memref<2000x128xf32, #tpu.memory_space<vmem>>, vector<2000x128xf32>
    %get3A_18 = arith.constant 0 : index
    %get3A_19 = arith.constant 0 : index
    %get3A_20 = vector.load %arg3[%get3A_18, %get3A_19] : memref<128x128xf32, #tpu.memory_space<vmem>>, vector<128x128xf32>
    %dot_general3A = arith.constant dense<0.000000e+00> : vector<2000x128xf32>
    %dot_general3A_21 = tpu.matmul %get3A_17, %get3A_20, %dot_general3A {dimension_numbers = #tpu.dot_dimension_numbers<[1], [0], [0], [1], [0, 0, 1, 1], [], []>, transpose_lhs_hint = false} : vector<2000x128xf32>, vector<128x128xf32>, vector<2000x128xf32> -> vector<2000x128xf32>
    %mul3A = vector.broadcast %rsqrt3A : vector<2000x1xf32> to vector<2000x128xf32>
    %mul3A_22 = arith.mulf %mul3A, %dot_general3A_21 : vector<2000x128xf32>
    %swap3A_23 = arith.constant 0 : index
    %swap3A_24 = arith.constant 0 : index
    %swap3A_25 = vector.load %arg4[%swap3A_23, %swap3A_24] : memref<2000x128xf32, #tpu.memory_space<vmem>>, vector<2000x128xf32>
    tpu.vector_store %arg4[%swap3A_23, %swap3A_24], %mul3A_22 {strides = array<i32>} : memref<2000x128xf32, #tpu.memory_space<vmem>>, vector<2000x128xf32>,
    return
  }
  func.func @transform_0(%arg0: i32) -> (i32, i32, i32) {
    %c0_i32 = arith.constant 0 : i32
    %c0_i32_0 = arith.constant 0 : i32
    %c0_i32_1 = arith.constant 0 : i32
    return %c0_i32, %arg0, %c0_i32_0 : i32, i32, i32
  }
  func.func @transform_1(%arg0: i32) -> (i32, i32) {
    %c0_i32 = arith.constant 0 : i32
    %c0_i32_0 = arith.constant 0 : i32
    return %arg0, %c0_i32 : i32, i32
  }
  func.func @transform_2(%arg0: i32) -> (i32, i32) {
    %c0_i32 = arith.constant 0 : i32
    %c0_i32_0 = arith.constant 0 : i32
    %c0_i32_1 = arith.constant 0 : i32
    return %c0_i32, %c0_i32_0 : i32, i32
  }
  func.func @transform_3(%arg0: i32) -> (i32, i32) {
    %c0_i32 = arith.constant 0 : i32
    %c0_i32_0 = arith.constant 0 : i32
    return %arg0, %c0_i32 : i32, i32
  }
  func.func @transform_4(%arg0: i32) -> (i32, i32) {
    %c0_i32 = arith.constant 0 : i32
    %c0_i32_0 = arith.constant 0 : i32
    return %arg0, %c0_i32 : i32, i32
  }
}

module attributes {stable_mosaic.version = 14 : i64} {
  func.func @_stage_b_body(%arg0: i32, %arg1: memref<2x2x2000x64xf32, #tpu.memory_space<vmem>>, %arg2: memref<2000x128xf32, #tpu.memory_space<vmem>>, %arg3: memref<2000x16xf32, #tpu.memory_space<vmem>>, %arg4: memref<1x128xf32, #tpu.memory_space<vmem>>, %arg5: memref<128x64xf32, #tpu.memory_space<vmem>>, %arg6: memref<2000x128xf32, #tpu.memory_space<vmem>>, %arg7: memref<2000x64xf32, #tpu.memory_space<vmem>>) attributes {dimension_semantics = [#tpu.dimension_semantics<arbitrary>], iteration_bounds = array<i64: 5>, scalar_prefetch = 0 : i64, scratch_operands = 0 : i64, tpu.core_type = #tpu.core_type<tc>, window_params = [{transform_indices = @transform_0, window_bounds = array<i64: 2, 2, 2000, 64>}, {transform_indices = @transform_1, window_bounds = array<i64: 2000, 128>}, {transform_indices = @transform_2, window_bounds = array<i64: 2000, 16>}, {pipeline_mode = #tpu.pipeline_mode<synchronous>, transform_indices = @transform_3, window_bounds = array<i64: 1, 128>}, {pipeline_mode = #tpu.pipeline_mode<synchronous>, transform_indices = @transform_4, window_bounds = array<i64: 128, 64>}, {transform_indices = @transform_5, window_bounds = array<i64: 2000, 128>}, {transform_indices = @transform_6, window_bounds = array<i64: 2000, 64>}]} {
    %get3A = arith.constant 0 : index
    %get3A_0 = arith.constant 0 : index
    %get3A_1 = vector.load %arg3[%get3A, %get3A_0] : memref<2000x16xf32, #tpu.memory_space<vmem>>, vector<2000x1xf32>
    %get3A_2 = arith.constant 0 : index
    %get3A_3 = arith.constant 0 : index
    %get3A_4 = arith.constant 0 : index
    %get3A_5 = arith.constant 0 : index
    %get3A_6 = vector.load %arg1[%get3A_2, %get3A_3, %get3A_4, %get3A_5] : memref<2x2x2000x64xf32, #tpu.memory_space<vmem>>, vector<1x1x2000x64xf32>
    %get3A_7 = vector.shape_cast %get3A_6 : vector<1x1x2000x64xf32> to vector<2000x64xf32>
    %get3A_8 = arith.constant 1 : index
    %get3A_9 = arith.constant 0 : index
    %get3A_10 = arith.constant 0 : index
    %get3A_11 = arith.constant 0 : index
    %get3A_12 = vector.load %arg1[%get3A_8, %get3A_9, %get3A_10, %get3A_11] : memref<2x2x2000x64xf32, #tpu.memory_space<vmem>>, vector<1x1x2000x64xf32>
    %get3A_13 = vector.shape_cast %get3A_12 : vector<1x1x2000x64xf32> to vector<2000x64xf32>
    %add3A = arith.addf %get3A_7, %get3A_13 : vector<2000x64xf32>
    %get3A_14 = arith.constant 0 : index
    %get3A_15 = arith.constant 1 : index
    %get3A_16 = arith.constant 0 : index
    %get3A_17 = arith.constant 0 : index
    %get3A_18 = vector.load %arg1[%get3A_14, %get3A_15, %get3A_16, %get3A_17] : memref<2x2x2000x64xf32, #tpu.memory_space<vmem>>, vector<1x1x2000x64xf32>
    %get3A_19 = vector.shape_cast %get3A_18 : vector<1x1x2000x64xf32> to vector<2000x64xf32>
    %get3A_20 = arith.constant 1 : index
    %get3A_21 = arith.constant 1 : index
    %get3A_22 = arith.constant 0 : index
    %get3A_23 = arith.constant 0 : index
    %get3A_24 = vector.load %arg1[%get3A_20, %get3A_21, %get3A_22, %get3A_23] : memref<2x2x2000x64xf32, #tpu.memory_space<vmem>>, vector<1x1x2000x64xf32>
    %get3A_25 = vector.shape_cast %get3A_24 : vector<1x1x2000x64xf32> to vector<2000x64xf32>
    %add3A_26 = arith.addf %get3A_19, %get3A_25 : vector<2000x64xf32>
    %concatenate3A = tpu.concatenate %add3A, %add3A_26 in 1 : vector<2000x64xf32>, vector<2000x64xf32> -> vector<2000x128xf32>
    %get3A_27 = arith.constant 0 : index
    %get3A_28 = arith.constant 0 : index
    %get3A_29 = vector.load %arg2[%get3A_27, %get3A_28] : memref<2000x128xf32, #tpu.memory_space<vmem>>, vector<2000x128xf32>
    %add3A_30 = arith.addf %concatenate3A, %get3A_29 : vector<2000x128xf32>
    %mul3A = vector.broadcast %get3A_1 : vector<2000x1xf32> to vector<2000x128xf32>
    %mul3A_31 = arith.mulf %mul3A, %add3A_30 : vector<2000x128xf32>
    %get3A_32 = arith.constant 0 : index
    %get3A_33 = arith.constant 0 : index
    %get3A_34 = vector.load %arg4[%get3A_32, %get3A_33] : memref<1x128xf32, #tpu.memory_space<vmem>>, vector<1x128xf32>
    %add3A_35 = vector.broadcast %get3A_34 : vector<1x128xf32> to vector<2000x128xf32>
    %add3A_36 = arith.addf %mul3A_31, %add3A_35 : vector<2000x128xf32>
    %max3A = arith.constant 0.000000e+00 : f32
    %max3A_37 = vector.broadcast %max3A : f32 to vector<2000x128xf32>
    %max3A_38 = arith.maximumf %add3A_36, %max3A_37 : vector<2000x128xf32>
    %swap3A = arith.constant 0 : index
    %swap3A_39 = arith.constant 0 : index
    %swap3A_40 = vector.load %arg6[%swap3A, %swap3A_39] : memref<2000x128xf32, #tpu.memory_space<vmem>>, vector<2000x128xf32>
    tpu.vector_store %arg6[%swap3A, %swap3A_39], %max3A_38 {strides = array<i32>} : memref<2000x128xf32, #tpu.memory_space<vmem>>, vector<2000x128xf32>,
    %get3A_41 = arith.constant 0 : index
    %get3A_42 = arith.constant 0 : index
    %get3A_43 = vector.load %arg5[%get3A_41, %get3A_42] : memref<128x64xf32, #tpu.memory_space<vmem>>, vector<128x64xf32>
    %dot_general3A = arith.constant dense<0.000000e+00> : vector<2000x64xf32>
    %dot_general3A_44 = tpu.matmul %max3A_38, %get3A_43, %dot_general3A {dimension_numbers = #tpu.dot_dimension_numbers<[1], [0], [0], [1], [0, 0, 1, 1], [], []>, transpose_lhs_hint = false} : vector<2000x128xf32>, vector<128x64xf32>, vector<2000x64xf32> -> vector<2000x64xf32>
    %mul3A_45 = vector.broadcast %get3A_1 : vector<2000x1xf32> to vector<2000x64xf32>
    %mul3A_46 = arith.mulf %mul3A_45, %dot_general3A_44 : vector<2000x64xf32>
    %swap3A_47 = arith.constant 0 : index
    %swap3A_48 = arith.constant 0 : index
    %swap3A_49 = vector.load %arg7[%swap3A_47, %swap3A_48] : memref<2000x64xf32, #tpu.memory_space<vmem>>, vector<2000x64xf32>
    tpu.vector_store %arg7[%swap3A_47, %swap3A_48], %mul3A_46 {strides = array<i32>} : memref<2000x64xf32, #tpu.memory_space<vmem>>, vector<2000x64xf32>,
    return
  }
  func.func @transform_0(%arg0: i32) -> (i32, i32, i32, i32) {
    %c0_i32 = arith.constant 0 : i32
    %c0_i32_0 = arith.constant 0 : i32
    %c0_i32_1 = arith.constant 0 : i32
    %c0_i32_2 = arith.constant 0 : i32
    return %c0_i32, %c0_i32_0, %arg0, %c0_i32_1 : i32, i32, i32, i32
  }
  func.func @transform_1(%arg0: i32) -> (i32, i32) {
    %c0_i32 = arith.constant 0 : i32
    %c0_i32_0 = arith.constant 0 : i32
    return %arg0, %c0_i32 : i32, i32
  }
  func.func @transform_2(%arg0: i32) -> (i32, i32) {
    %c0_i32 = arith.constant 0 : i32
    %c0_i32_0 = arith.constant 0 : i32
    return %arg0, %c0_i32 : i32, i32
  }
  func.func @transform_3(%arg0: i32) -> (i32, i32) {
    %c0_i32 = arith.constant 0 : i32
    %c0_i32_0 = arith.constant 0 : i32
    %c0_i32_1 = arith.constant 0 : i32
    return %c0_i32, %c0_i32_0 : i32, i32
  }
  func.func @transform_4(%arg0: i32) -> (i32, i32) {
    %c0_i32 = arith.constant 0 : i32
    %c0_i32_0 = arith.constant 0 : i32
    %c0_i32_1 = arith.constant 0 : i32
    return %c0_i32, %c0_i32_0 : i32, i32
  }
  func.func @transform_5(%arg0: i32) -> (i32, i32) {
    %c0_i32 = arith.constant 0 : i32
    %c0_i32_0 = arith.constant 0 : i32
    return %arg0, %c0_i32 : i32, i32
  }
  func.func @transform_6(%arg0: i32) -> (i32, i32) {
    %c0_i32 = arith.constant 0 : i32
    %c0_i32_0 = arith.constant 0 : i32
    return %arg0, %c0_i32 : i32, i32
  }
}

module attributes {stable_mosaic.version = 14 : i64} {
  func.func @_stage_c_body(%arg0: i32, %arg1: memref<2x2000x64xf32, #tpu.memory_space<vmem>>, %arg2: memref<2000x64xf32, #tpu.memory_space<vmem>>, %arg3: memref<2000x16xf32, #tpu.memory_space<vmem>>, %arg4: memref<1x64xf32, #tpu.memory_space<vmem>>, %arg5: memref<2000x128xf32, #tpu.memory_space<vmem>>, %arg6: memref<2000x128xf32, #tpu.memory_space<vmem>>, %arg7: memref<320x64xf32, #tpu.memory_space<vmem>>, %arg8: memref<1x64xf32, #tpu.memory_space<vmem>>, %arg9: memref<2000x64xf32, #tpu.memory_space<vmem>>) attributes {dimension_semantics = [#tpu.dimension_semantics<arbitrary>], iteration_bounds = array<i64: 5>, scalar_prefetch = 0 : i64, scratch_operands = 0 : i64, tpu.core_type = #tpu.core_type<tc>, window_params = [{transform_indices = @transform_0, window_bounds = array<i64: 2, 2000, 64>}, {transform_indices = @transform_1, window_bounds = array<i64: 2000, 64>}, {transform_indices = @transform_2, window_bounds = array<i64: 2000, 16>}, {pipeline_mode = #tpu.pipeline_mode<synchronous>, transform_indices = @transform_3, window_bounds = array<i64: 1, 64>}, {transform_indices = @transform_4, window_bounds = array<i64: 2000, 128>}, {transform_indices = @transform_5, window_bounds = array<i64: 2000, 128>}, {pipeline_mode = #tpu.pipeline_mode<synchronous>, transform_indices = @transform_6, window_bounds = array<i64: 320, 64>}, {pipeline_mode = #tpu.pipeline_mode<synchronous>, transform_indices = @transform_7, window_bounds = array<i64: 1, 64>}, {transform_indices = @transform_8, window_bounds = array<i64: 2000, 64>}]} {
    %get3A = arith.constant 0 : index
    %get3A_0 = arith.constant 0 : index
    %get3A_1 = vector.load %arg3[%get3A, %get3A_0] : memref<2000x16xf32, #tpu.memory_space<vmem>>, vector<2000x1xf32>
    %get3A_2 = arith.constant 0 : index
    %get3A_3 = arith.constant 0 : index
    %get3A_4 = arith.constant 0 : index
    %get3A_5 = vector.load %arg1[%get3A_2, %get3A_3, %get3A_4] : memref<2x2000x64xf32, #tpu.memory_space<vmem>>, vector<1x2000x64xf32>
    %get3A_6 = vector.shape_cast %get3A_5 : vector<1x2000x64xf32> to vector<2000x64xf32>
    %get3A_7 = arith.constant 1 : index
    %get3A_8 = arith.constant 0 : index
    %get3A_9 = arith.constant 0 : index
    %get3A_10 = vector.load %arg1[%get3A_7, %get3A_8, %get3A_9] : memref<2x2000x64xf32, #tpu.memory_space<vmem>>, vector<1x2000x64xf32>
    %get3A_11 = vector.shape_cast %get3A_10 : vector<1x2000x64xf32> to vector<2000x64xf32>
    %add3A = arith.addf %get3A_6, %get3A_11 : vector<2000x64xf32>
    %get3A_12 = arith.constant 0 : index
    %get3A_13 = arith.constant 0 : index
    %get3A_14 = vector.load %arg2[%get3A_12, %get3A_13] : memref<2000x64xf32, #tpu.memory_space<vmem>>, vector<2000x64xf32>
    %add3A_15 = arith.addf %add3A, %get3A_14 : vector<2000x64xf32>
    %mul3A = vector.broadcast %get3A_1 : vector<2000x1xf32> to vector<2000x64xf32>
    %mul3A_16 = arith.mulf %mul3A, %add3A_15 : vector<2000x64xf32>
    %get3A_17 = arith.constant 0 : index
    %get3A_18 = arith.constant 0 : index
    %get3A_19 = vector.load %arg4[%get3A_17, %get3A_18] : memref<1x64xf32, #tpu.memory_space<vmem>>, vector<1x64xf32>
    %add3A_20 = vector.broadcast %get3A_19 : vector<1x64xf32> to vector<2000x64xf32>
    %add3A_21 = arith.addf %mul3A_16, %add3A_20 : vector<2000x64xf32>
    %get3A_22 = arith.constant 0 : index
    %get3A_23 = arith.constant 0 : index
    %get3A_24 = vector.load %arg7[%get3A_22, %get3A_23] : memref<320x64xf32, #tpu.memory_space<vmem>>, vector<320x64xf32>
    %get3A_25 = arith.constant 0 : index
    %get3A_26 = arith.constant 0 : index
    %get3A_27 = vector.load %arg5[%get3A_25, %get3A_26] : memref<2000x128xf32, #tpu.memory_space<vmem>>, vector<2000x128xf32>
    %slice3A = vector.extract_strided_slice %get3A_24 {offsets = [0, 0], sizes = [128, 64], strides = [1, 1]} : vector<320x64xf32> to vector<128x64xf32>
    %dot_general3A = arith.constant dense<0.000000e+00> : vector<2000x64xf32>
    %dot_general3A_28 = tpu.matmul %get3A_27, %slice3A, %dot_general3A {dimension_numbers = #tpu.dot_dimension_numbers<[1], [0], [0], [1], [0, 0, 1, 1], [], []>, transpose_lhs_hint = false} : vector<2000x128xf32>, vector<128x64xf32>, vector<2000x64xf32> -> vector<2000x64xf32>
    %get3A_29 = arith.constant 0 : index
    %get3A_30 = arith.constant 0 : index
    %get3A_31 = vector.load %arg6[%get3A_29, %get3A_30] : memref<2000x128xf32, #tpu.memory_space<vmem>>, vector<2000x128xf32>
    %slice3A_32 = vector.extract_strided_slice %get3A_24 {offsets = [128, 0], sizes = [128, 64], strides = [1, 1]} : vector<320x64xf32> to vector<128x64xf32>
    %dot_general3A_33 = arith.constant dense<0.000000e+00> : vector<2000x64xf32>
    %dot_general3A_34 = tpu.matmul %get3A_31, %slice3A_32, %dot_general3A_33 {dimension_numbers = #tpu.dot_dimension_numbers<[1], [0], [0], [1], [0, 0, 1, 1], [], []>, transpose_lhs_hint = false} : vector<2000x128xf32>, vector<128x64xf32>, vector<2000x64xf32> -> vector<2000x64xf32>
    %add3A_35 = arith.addf %dot_general3A_28, %dot_general3A_34 : vector<2000x64xf32>
    %slice3A_36 = vector.extract_strided_slice %get3A_24 {offsets = [256, 0], sizes = [64, 64], strides = [1, 1]} : vector<320x64xf32> to vector<64x64xf32>
    %dot_general3A_37 = arith.constant dense<0.000000e+00> : vector<2000x64xf32>
    %dot_general3A_38 = tpu.matmul %add3A_21, %slice3A_36, %dot_general3A_37 {dimension_numbers = #tpu.dot_dimension_numbers<[1], [0], [0], [1], [0, 0, 1, 1], [], []>, transpose_lhs_hint = false} : vector<2000x64xf32>, vector<64x64xf32>, vector<2000x64xf32> -> vector<2000x64xf32>
    %add3A_39 = arith.addf %add3A_35, %dot_general3A_38 : vector<2000x64xf32>
    %get3A_40 = arith.constant 0 : index
    %get3A_41 = arith.constant 0 : index
    %get3A_42 = vector.load %arg8[%get3A_40, %get3A_41] : memref<1x64xf32, #tpu.memory_space<vmem>>, vector<1x64xf32>
    %add3A_43 = vector.broadcast %get3A_42 : vector<1x64xf32> to vector<2000x64xf32>
    %add3A_44 = arith.addf %add3A_39, %add3A_43 : vector<2000x64xf32>
    %reduce_max3A = arith.constant dense<0xFF800000> : vector<2000xf32>
    %reduce_max3A_45 = vector.multi_reduction <maximumf>, %add3A_44, %reduce_max3A [1] : vector<2000x64xf32> to vector<2000xf32>
    %broadcast_in_dim3A = vector.shape_cast %reduce_max3A_45 : vector<2000xf32> to vector<2000x1xf32>
    %sub3A = vector.broadcast %broadcast_in_dim3A : vector<2000x1xf32> to vector<2000x64xf32>
    %sub3A_46 = arith.subf %add3A_44, %sub3A : vector<2000x64xf32>
    %exp3A = math.exp %sub3A_46 : vector<2000x64xf32>
    %reduce_sum3A = arith.constant dense<0.000000e+00> : vector<2000xf32>
    %reduce_sum3A_47 = vector.multi_reduction <add>, %exp3A, %reduce_sum3A [1] : vector<2000x64xf32> to vector<2000xf32>
    %broadcast_in_dim3A_48 = vector.shape_cast %reduce_sum3A_47 : vector<2000xf32> to vector<2000x1xf32>
    %log3A = math.log %broadcast_in_dim3A_48 : vector<2000x1xf32>
    %sub3A_49 = vector.broadcast %log3A : vector<2000x1xf32> to vector<2000x64xf32>
    %sub3A_50 = arith.subf %sub3A_46, %sub3A_49 : vector<2000x64xf32>
    %swap3A = arith.constant 0 : index
    %swap3A_51 = arith.constant 0 : index
    %swap3A_52 = vector.load %arg9[%swap3A, %swap3A_51] : memref<2000x64xf32, #tpu.memory_space<vmem>>, vector<2000x64xf32>
    tpu.vector_store %arg9[%swap3A, %swap3A_51], %sub3A_50 {strides = array<i32>} : memref<2000x64xf32, #tpu.memory_space<vmem>>, vector<2000x64xf32>,
    return
  }
  func.func @transform_0(%arg0: i32) -> (i32, i32, i32) {
    %c0_i32 = arith.constant 0 : i32
    %c0_i32_0 = arith.constant 0 : i32
    %c0_i32_1 = arith.constant 0 : i32
    return %c0_i32, %arg0, %c0_i32_0 : i32, i32, i32
  }
  func.func @transform_1(%arg0: i32) -> (i32, i32) {
    %c0_i32 = arith.constant 0 : i32
    %c0_i32_0 = arith.constant 0 : i32
    return %arg0, %c0_i32 : i32, i32
  }
  func.func @transform_2(%arg0: i32) -> (i32, i32) {
    %c0_i32 = arith.constant 0 : i32
    %c0_i32_0 = arith.constant 0 : i32
    return %arg0, %c0_i32 : i32, i32
  }
  func.func @transform_3(%arg0: i32) -> (i32, i32) {
    %c0_i32 = arith.constant 0 : i32
    %c0_i32_0 = arith.constant 0 : i32
    %c0_i32_1 = arith.constant 0 : i32
    return %c0_i32, %c0_i32_0 : i32, i32
  }
  func.func @transform_4(%arg0: i32) -> (i32, i32) {
    %c0_i32 = arith.constant 0 : i32
    %c0_i32_0 = arith.constant 0 : i32
    return %arg0, %c0_i32 : i32, i32
  }
  func.func @transform_5(%arg0: i32) -> (i32, i32) {
    %c0_i32 = arith.constant 0 : i32
    %c0_i32_0 = arith.constant 0 : i32
    return %arg0, %c0_i32 : i32, i32
  }
  func.func @transform_6(%arg0: i32) -> (i32, i32) {
    %c0_i32 = arith.constant 0 : i32
    %c0_i32_0 = arith.constant 0 : i32
    %c0_i32_1 = arith.constant 0 : i32
    return %c0_i32, %c0_i32_0 : i32, i32
  }
  func.func @transform_7(%arg0: i32) -> (i32, i32) {
    %c0_i32 = arith.constant 0 : i32
    %c0_i32_0 = arith.constant 0 : i32
    %c0_i32_1 = arith.constant 0 : i32
    return %c0_i32, %c0_i32_0 : i32, i32
  }
  func.func @transform_8(%arg0: i32) -> (i32, i32) {
    %c0_i32 = arith.constant 0 : i32
    %c0_i32_0 = arith.constant 0 : i32
    return %arg0, %c0_i32 : i32, i32
  }
}

</mosaic_0001>

<sc_bundles>
// kernel: kernel.11.cloned.1.call-start
scs
__scs_entry_jumppad:
0x0: {  	(pc) =	sbr.rel $0x88, $3  }
0x1: {  	(tag) =	ssettag $0x0;
	lr =	simm.s32 $0x1  }
0x2: {  	[smem:$0x3F99] =	sst lr;
	_ =	strace $0xD0000000  }
0x3: {  	_ = 	snop  }
0x4: {  	_ = 	snop  }
0x5: {  	_ = 	snop  }
0x6: {  	_ = 	snop  }
0x7: {  	_ = 	snop  }
__scs_overlays_trampoline_lowered:
0x8: {  	[smem:$0x3FA8] =	sst s0  }
0x9: {  	[smem:$0x3FA9] =	sst s1  }
0xa: {  	[smem:$0x3FAA] =	sst s2  }
0xb: {  	[smem:$0x3FAB] =	sst s3  }
0xc: {  	[smem:$0x3FAC] =	sst s4  }
0xd: {  	[smem:$0x3FAD] =	sst s5  }
0xe: {  	[smem:$0x3FAE] =	sst s6  }
0xf: {  	[smem:$0x3FAF] =	sst s7  }
0x10: {  	[smem:$0x3FB0] =	sst s8  }
0x11: {  	[smem:$0x3FB1] =	sst s9;
	s0 =	simm.s32 @!p0 $0x0  }
0x12: {  	s1 =	sld [smem:$0x3F97];
	s0 =	simm.s32 @p0 $0x1  }
0x13: {  	[smem:$0x3FB2] =	sst s0;
	s0 =	simm.s32 @!p1 $0x0  }
0x14: {  	s2 =	sld [smem:$0x3F96];
	s0 =	simm.s32 @p1 $0x1  }
0x15: {  	[smem:$0x3FB3] =	sst s0;
	s0 =	simm.s32 @!p2 $0x0  }
0x16: {  	s3 =	sld [smem:$0x3FDB];
	s0 =	simm.s32 @p2 $0x1  }
0x17: {  	s4 =	simm.s32 $0x1BF5;
	[smem:$0x3FB5] =	sst s0  }
0x18: {  	s0 =	sld [smem:$0x3F98];
	_ =	swait.ge [sflag:s4], $0x0  }
0x19: {  	s7 =	sld [smem:$0x3F99]  }
0x1a: {  	s8 =	sadd.s32 $0xFFFFE003, lr  }
0x1b: {  	s9 =	sadd.s32 $0xFFFFFEF7, lr;
	s5 =	simm.s32 $0xFFFFFFFF;
	p2 =	slt.u32 s8, $0xFFFFF086  }
0x1c: {  	p1 =	slt.u32 s9, $0xF7A;
	s5 =	simm.s32 @!p2 $0x0  }
0x1d: {  	s5 =	simm.s32 @p1 $0x1;
	p0 =	seq.s32 s7, s2  }
0x1e: {  	s7 =	smul.u32 @!p0 $0xF7A, s2;
	p2 =	seq.s32 @!p0 s5, $0x0  }
0x1f: {  	s9 =	smul.u32 $0xF7A, s1;
	s8 =	simm.s32 @!p0 $0x1BF5;
	p2 =	por !p2, p0  }
0x20: {  	[sflag:s8] =	ssyncset.s32 @!p0 $0xFFFFF086;
	s6 =	sadd.s32 @!p0 s3, s7;
	s7 =	simm.s32 @!p0 $0x108  }
0x21: {  	s3 =	sadd.s32 s3, s9;
	s6 =	sadd.s32 @!p0 $0x88, s6;
	s7 =	simm.s32 @p2 $0x1082  }
0x22: {  	[simem:s7], [sflag:s8] =	dma.local @!p0 [hbm:s6], $0xF7A  }
0x23: {  	s9 =	sor.u32 $0xD0000000, s2;
	s6 =	simm.s32 $0x108;
	_ =	swait.ge @!p0 [sflag:s8], $0x0  }
0x24: {  	s3 =	sadd.s32 $0x88, s3;
	s6 =	simm.s32 @!p1 $0x1082;
	[sflag:s4] =	ssyncset.s32 $0xFFFFF086  }
0x25: {  	[simem:s6], [sflag:s4] =	dma.local [hbm:s3], $0xF7A  }
0x26: {  	[smem:$0x3F99] =	sst s1;
	(tag) =	ssettag s2;
	_ =	strace s9  }
0x27: {  	s1 =	sld [smem:$0x3FA9]  }
0x28: {  	s2 =	sld [smem:$0x3FAA]  }
0x29: {  	s4 =	sld [smem:$0x3FAC]  }
0x2a: {  	p0 =	seq.s32 s5, $0x0;
	s5 =	sld [smem:$0x3FAD]  }
0x2b: {  	s6 =	sld [smem:$0x3FAE]  }
0x2c: {  	s7 =	sld [smem:$0x3FAF]  }
0x2d: {  	s3 =	simm.s32 $0x108;
	s8 =	sld [smem:$0x3FB0]  }
0x2e: {  	s3 =	simm.s32 @!p0 $0x1082;
	s9 =	sld [smem:$0x3FB1]  }
0x2f: {  	lr =	sadd.s32 s0, s3;
	s0 =	sld [smem:$0x3FA8]  }
0x30: {  	s3 =	sld [smem:$0x3FAB]  }
0x31: {  	[smem:$0x3FB4] =	sst s10  }
0x32: {  	s10 =	sld [smem:$0x3FB2];
	_ =	sdelay $0x3  }
0x33: {  	p0 =	seq.s32 s10, $0x1;
	s10 =	sld [smem:$0x3FB4];
	_ =	sdelay $0x3  }
0x34: {  	[smem:$0x3FB4] =	sst s10  }
0x35: {  	s10 =	sld [smem:$0x3FB3];
	_ =	sdelay $0x3  }
0x36: {  	p1 =	seq.s32 s10, $0x1;
	s10 =	sld [smem:$0x3FB4];
	_ =	sdelay $0x3  }
0x37: {  	[smem:$0x3FB4] =	sst s10  }
0x38: {  	s10 =	sld [smem:$0x3FB5]  }
0x39: {  	_ = 	snop;
	(pc) =	sbr.ind lr, $3  }
0x3a: {  	_ = 	snop  }
0x3b: {  	_ = 	snop  }
0x3c: {  	p2 =	seq.s32 s10, $0x1;
	s10 =	sld [smem:$0x3FB4]  }
0x3d: {  	_ =	shalt  }
0x3e: {  	_ =	shalt  }
0x3f: {  	_ =	shalt  }
0x40: {  	_ =	shalt  }
0x41: {  	_ =	shalt  }
0x42: {  	_ =	shalt  }
0x43: {  	_ =	shalt  }
0x44: {  	_ =	shalt  }
0x45: {  	_ =	shalt  }
0x46: {  	_ =	shalt  }
0x47: {  	_ =	shalt  }
0x48: {  	_ =	shalt  }
0x49: {  	_ =	shalt  }
0x4a: {  	_ =	shalt  }
0x4b: {  	_ =	shalt  }
0x4c: {  	_ =	shalt  }
0x4d: {  	_ =	shalt  }
0x4e: {  	_ =	shalt  }
0x4f: {  	_ =	shalt  }
0x50: {  	_ =	shalt  }
0x51: {  	_ =	shalt  }
0x52: {  	_ =	shalt  }
0x53: {  	_ =	shalt  }
0x54: {  	_ =	shalt  }
0x55: {  	_ =	shalt  }
0x56: {  	_ =	shalt  }
0x57: {  	_ =	shalt  }
0x58: {  	_ =	shalt  }
0x59: {  	_ =	shalt  }
0x5a: {  	_ =	shalt  }
0x5b: {  	_ =	shalt  }
0x5c: {  	_ =	shalt  }
0x5d: {  	_ =	shalt  }
0x5e: {  	_ =	shalt  }
0x5f: {  	_ =	shalt  }
0x60: {  	_ =	shalt  }
0x61: {  	_ =	shalt  }
0x62: {  	_ =	shalt  }
0x63: {  	_ =	shalt  }
0x64: {  	_ =	shalt  }
0x65: {  	_ =	shalt  }
0x66: {  	_ =	shalt  }
0x67: {  	_ =	shalt  }
0x68: {  	_ =	shalt  }
0x69: {  	_ =	shalt  }
0x6a: {  	_ =	shalt  }
0x6b: {  	_ =	shalt  }
0x6c: {  	_ =	shalt  }
0x6d: {  	_ =	shalt  }
0x6e: {  	_ =	shalt  }
0x6f: {  	_ =	shalt  }
0x70: {  	_ =	shalt  }
0x71: {  	_ =	shalt  }
0x72: {  	_ =	shalt  }
0x73: {  	_ =	shalt  }
0x74: {  	_ =	shalt  }
0x75: {  	_ =	shalt  }
0x76: {  	_ =	shalt  }
0x77: {  	_ =	shalt  }
0x78: {  	_ =	shalt  }
0x79: {  	_ =	shalt  }
0x7a: {  	_ =	shalt  }
0x7b: {  	_ =	shalt  }
0x7c: {  	_ =	shalt  }
0x7d: {  	_ =	shalt  }
0x7e: {  	_ =	shalt  }
0x7f: {  	_ =	shalt  }
0x80: {  	_ =	shalt  }
0x81: {  	_ =	shalt  }
0x82: {  	_ =	shalt  }
0x83: {  	_ =	shalt  }
0x84: {  	_ =	shalt  }
0x85: {  	_ =	shalt  }
0x86: {  	_ =	shalt  }
0x87: {  	_ =	shalt  }
.Lfunc_end0:
.L_simem_size_0:
called_computation.1_lowered:
.L_overlay_start_0:
0x88: {  	s2 =	sld [smem:$0x3FD9]  }
0x89: {  	s3 =	sld [smem:$0x3FFE];
	_ =	sdelay $0x1  }
0x8a: {  	s1 =	srdreg.scid  }
0x8b: {  	s0 =	sand.u32 $0x1, s1  }
0x8c: {  	s16 =	sshll.u32 s0, $0xA;
	s2 =	sadd.s32 s3, s2  }
0x8d: {  	s2 =	sadd.s32 s2, s16  }
0x8e: {  	[smem:$0x3FC0] =	sst s2  }
0x8f: {  	_ = 	snop  }
0x90: {  	(tm) =	ssettm $0x1  }
0x91: {  	s17 =	sld [smem:$0x3FFB];
	_ =	sdelay $0x3  }
0x92: {  	_ =	strace s17  }
0x93: {  	s2 =	sld [smem:$0x3FFC];
	_ =	sdelay $0x3  }
0x94: {  	_ =	strace s2  }
0x95: {  	s2 =	sld [smem:$0x3FFD];
	_ =	sdelay $0x3  }
0x96: {  	_ =	strace s2  }
0x97: {  	_ =	strace $0x8FFFFFFF  }
0x98: {  	s18 =	sld [smem:$0x3FDB];
	_ =	sdelay $0x1  }
0x99: {  	s19 =	simm.s32 $_scs_section_size  }
0x9a: {  	s4 =	simm.s32 $_size__tile_overlayer_lowered;
	s5 =	simm.s32 $_tile_overlayer_lowered  }
0x9b: {  	s22 =	simm.s32 $0x1BFF;
	s21 =	sshll.u32 s5, $0x1;
	s2 =	sadd.s32 s19, s18  }
0x9c: {  	s6 =	simm.s32 $0x0;
	s20 =	sshll.u32 s4, $0x1;
	s4 =	sadd.s32 s21, s2  }
0x9d: {  	[timem:s6], [sflag:s22] =	dma.local [hbm:s4], s20  }
0x9e: {  	_ =	swait.ge [sflag:s22], s20  }
0x9f: {  	s3 =	ssub.s32 $0x0, s20;
	[sflag:s22] =	ssyncset.done $0x0  }
0xa0: {  	[sflag:s22] =	ssyncadd.s32 s3;
	_ =	sdelay $0x1  }
0xa1: {  	s23 =	simm.s32 $0x1B8B  }
0xa2: {  	_ =	swait.ge [sflag:s23], $0x1  }
0xa3: {  	[sflag:s23] =	ssyncset.done $0x0  }
0xa4: {  	s25 =	simm.s32 $0x1B8E;
	s24 =	sld [smem:$0x3FFE];
	[sflag:s23] =	ssyncadd.s32 $0xFFFFFFFF  }
0xa5: {  	s26 =	simm.s32 $execute0_lowered;
	[smem:$0x3FD2] =	sst s25  }
0xa6: {  	s4 =	sshll.u32 s26, $0x1;
	_ =	strace $0x80000049;
	[dreg:$0x1] =	wrdreg $0xFFFFFFFF  }
0xa7: {  	s28 =	simm.s32 $_size_execute0_lowered;
	s2 =	sadd.s32 s2, s4;
	[dreg:$0x0] =	wrdreg $0x0  }
0xa8: {  	s4 =	sshll.u32 s28, $0x1;
	[dreg:$0x2] =	wrdreg s2  }
0xa9: {  	[dreg:$0x3] =	wrdreg s4  }
0xaa: {  	[dreg:$0x4] =	wrdreg $0xC0  }
0xab: {  	_ =	task [dreg:s6], $0x5FFFF  }
0xac: {  	[dreg:$0x1] =	wrdreg $0xFFFFFFFF  }
0xad: {  	[dreg:$0x0] =	wrdreg $0x60  }
0xae: {  	[dreg:$0x2] =	wrdreg s24  }
0xaf: {  	[dreg:$0x3] =	wrdreg $0x90000  }
0xb0: {  	[dreg:$0x4] =	wrdreg $0x12E000  }
0xb1: {  	[dreg:$0x5] =	wrdreg $0x9  }
0xb2: {  	_ =	task.clear_ibuf [dreg:s6], $0x6FFFF;
	_ =	strace $0x90000049  }
0xb3: {  	s29 =	simm.s32 $0x9;
	_ =	strace $0x8000004B  }
0xb4: {  	_ =	swait.ge [sflag:s29], $0x1  }
0xb5: {  	[sflag:s29] =	ssyncadd.s32 $0xFFFFFFFF  }
0xb6: {  	_ =	strace $0x9000004B  }
0xb7: {  	_ =	sfence  }
0xb8: {  	s30 =	sld [smem:$0x0];
	_ =	sdelay $0x2  }
0xb9: {  	s31 =	sshll.u32 s1, $0xD;
	s1 =	sshrl.u32 s1, $0x2  }
0xba: {  	s3 =	sand.u32 $0x4000, s31;
	s1 =	sadd.s32 s1, s30  }
0xbb: {  	s0 =	sor.u32 s3, s0;
	s1 =	sshll.u32 s1, $0x11  }
0xbc: {  	s0 =	sor.u32 s1, s0  }
0xbd: {  	s0 =	sadd.s32 $0x8F2B, s0  }
0xbe: {  	[sflag:s0] =	ssyncadd.remote.s32 $0x1  }
0xbf: {  	_ =	sfence.sel $0xFFFF  }
0xc0: {  	[dreg:$0x0] =	wrdreg $0xFFFFFFFF;
	(pc) =	sbr.abs _section_cstart, $3  }
0xc1: {  	[dreg:$0x1] =	wrdreg $0xFFFFFFFF  }
0xc2: {  	_ =	task.clear_ibuf [dreg:s6], $0x2FFFF;
	_ =	strace $0x9FFFFFFF  }
0xc3: {  	(tm) =	ssettm $0x7FFFFFFF  }
tec
execute0_lowered:
.L_overlay_start_1:
0x0: {  	(tag) =	ssettag $0x1  }
0x1: {  	s6 =	rddreg [dreg:$0x0]  }
0x2: {  	s2 =	rddreg [dreg:$0x1]  }
0x3: {  	s3 =	rddreg [dreg:$0x2];
	s4 =	srdreg.scid  }
0x4: {  	s0 =	rddreg [dreg:$0x3];
	s1 =	stileid.u32;
	s14 =	simm.s32 $0x2800  }
0x5: {  	s18 =	simm.s32 $0x80;
	s19 =	simm.s32 $0x5000;
	s20 =	simm.s32 $0x1  }
0x6: {  	s21 =	simm.s32 $0x7000;
	s22 =	simm.s32 $0x2;
	s23 =	simm.s32 $0x2780  }
0x7: {  	s24 =	simm.s32 $0x4F00;
	s25 =	simm.s32 $0x4F80;
	s26 =	simm.s32 $0x0  }
0x8: {  	s5 =	sand.u32 $0x1, s4;
	s4 =	simm.s32 $0x0;
	s9 =	smul.u32 $0x9E00, s1  }
0x9: {  	s15 =	sshll.u32 s1, $0x6;
	s7 =	sshll.u32 s5, $0x4;
	[smem:$0x7FF] =	sst s4  }
0xa: {  	s8 =	smul.u32 $0x13C000, s5;
	s11 =	ssub.s32 $0x2, s5;
	s5 =	sadd.s32 $0x3E000, s6  }
0xb: {  	s15 =	sor.u32 $0x1C03, s15;
	s7 =	sor.u32 s1, s7;
	_ =	strace $0x8000004A  }
0xc: {  	s10 =	sshrl.u32 s9, $0x3;
	s12 =	sshrl.u32 s11, $0x1;
	s16 =	sadd.s32 s9, s2  }
0xd: {  	s17 =	sadd.s32 s9, s3;
	s7 =	smul.u32 $0x500, s7;
	s10 =	sadd.s32 s10, s6  }
0xe: {  	s8 =	sadd.s32 s9, s8;
	s12 =	ssub.s32 s11, s12;
	s16 =	sshrl.u32 s16, $0x3  }
0xf: {  	s17 =	sshrl.u32 s17, $0x3;
	s8 =	sshrl.u32 s8, $0x3;
	s12 =	smax.u32 s12, $0x1  }
0x10: {  	s7 =	sadd.s32 s7, s6;
	s13 =	sadd.s32 s8, s6;
	s8 =	sadd.s32 $0x16800, s10  }
0x11: {  	s10 =	sadd.s32 $0x2A400, s10;
	s6 =	sadd.s32 $0xC800, s7;
	s7 =	sadd.s32 $0x2000, s7  }
0x12: {  	s9 =	sadd.s32 $0x3F400, s13;
	s11 =	sadd.s32 $0x53000, s13;
	s13 =	simm.s32 $0x3  }
.LBB2_1:
0x13: {  	[tilespmem:s4], [sflag:$0x3] =	stream.linear.gather [hbm4b:s6+s4], $0x2800, $0x38;
	[tilespmem:$0x1CC00] =	vst v63  }
0x14: {  	_ =	swait.ge [sflag:s13], $0x2800  }
0x15: {  	[sflag:s13] =	ssyncset.done $0x0  }
0x16: {  	[sflag:s13] =	ssyncadd.s32 $0xFFFFD800  }
0x17: {  	[tilespmem:s14], [sflag:$0x3] =	stream.linear.gather [hbm4b:s7+s4], $0x2800, $0x38;
	[tilespmem:$0x1CC00] =	vst v63  }
0x18: {  	_ =	swait.ge [sflag:s13], $0x2800  }
0x19: {  	[sflag:s13] =	ssyncset.done $0x0  }
0x1a: {  	[sflag:s13] =	ssyncadd.s32 $0xFFFFD800  }
0x1b: {  	[spmem:s16], [sflag:s15] =	dma.local [hbm:s8], $0x13C0  }
0x1c: {  	_ =	swait.ge [sflag:s13], $0x13C0  }
0x1d: {  	[sflag:s13] =	ssyncset.done $0x0  }
0x1e: {  	[sflag:s13] =	ssyncadd.s32 $0xFFFFEC40  }
0x1f: {  	[spmem:s17], [sflag:s15] =	dma.local [hbm:s5], $0x13C0  }
0x20: {  	_ =	swait.ge [sflag:s13], $0x13C0  }
0x21: {  	[sflag:s13] =	ssyncset.done $0x0  }
0x22: {  	[sflag:s13] =	ssyncadd.s32 $0xFFFFEC40  }
0x23: {  	[bflag:$0x0] =	sbarrier.arrive $0xFFFF  }
0x24: {  	[tilespmem:s19], [sflag:$0x1] =	stream.indirect.gather [spmem:s2], $0x40, s4, s18, $0xb8;
	[tilespmem:$0x1CC00] =	vst v63  }
0x25: {  	_ =	swait.ge [sflag:s20], $0x2000  }
0x26: {  	[sflag:s20] =	ssyncset.done $0x0  }
0x27: {  	s28 =	simm.s32 $0x80;
	[sflag:s20] =	ssyncadd.s32 $0xFFFFE000  }
0x28: {  	[tilespmem:s21], [sflag:$0x2] =	stream.indirect.gather [spmem:s2], $0x40, s28, s18, $0xb8;
	[tilespmem:$0x1CC00] =	vst v63  }
0x29: {  	s28 =	simm.s32 $0x2800  }
0x2a: {  	[spmem:s3] =	stream.indirect.scatter.add.f32 [tilespmem:s19], [sflag:$0x3], $0x40, s28, s18, $0xb8;
	[tilespmem:$0x1CC00] =	vst v63  }
0x2b: {  	_ =	swait.ge [sflag:s13], $0x2000  }
0x2c: {  	[sflag:s13] =	ssyncset.done $0x0  }
0x2d: {  	[sflag:s13] =	ssyncadd.s32 $0xFFFFE000  }
0x2e: {  	_ =	swait.ge [sflag:s22], $0x2000  }
0x2f: {  	[sflag:s22] =	ssyncset.done $0x0  }
0x30: {  	s28 =	simm.s32 $0x100;
	[sflag:s22] =	ssyncadd.s32 $0xFFFFE000  }
0x31: {  	[tilespmem:s19], [sflag:$0x1] =	stream.indirect.gather [spmem:s2], $0x40, s28, s18, $0xb8;
	[tilespmem:$0x1CC00] =	vst v63  }
0x32: {  	s28 =	simm.s32 $0x2880  }
0x33: {  	[spmem:s3] =	stream.indirect.scatter.add.f32 [tilespmem:s21], [sflag:$0x3], $0x40, s28, s18, $0xb8;
	[tilespmem:$0x1CC00] =	vst v63  }
0x34: {  	_ =	swait.ge [sflag:s13], $0x2000  }
0x35: {  	s28 =	simm.s32 $0x400;
	[sflag:s13] =	ssyncset.done $0x0  }
.LBB2_2:
0x36: {  	p0 =	sne.s32 s28, $0x9800  }
0x37: {  	[sflag:s13] =	ssyncadd.s32 $0xFFFFE000;
	s29 =	smov.u32 s28;
	s28 =	sadd.s32 $0x400, s28  }
0x38: {  	_ = 	snop  }
0x39: {  	_ =	swait.ge [sflag:s20], $0x2000  }
0x3a: {  	s29 =	sshra.s32 s29, $0x2;
	[sflag:s20] =	ssyncset.done $0x0  }
0x3b: {  	s30 =	sadd.s32 $0x80, s29;
	[sflag:s20] =	ssyncadd.s32 $0xFFFFE000  }
0x3c: {  	[tilespmem:s21], [sflag:$0x2] =	stream.indirect.gather [spmem:s2], $0x40, s30, s18, $0xb8;
	[tilespmem:$0x1CC00] =	vst v63  }
0x3d: {  	s30 =	sadd.s32 $0x2800, s29  }
0x3e: {  	[spmem:s3] =	stream.indirect.scatter.add.f32 [tilespmem:s19], [sflag:$0x3], $0x40, s30, s18, $0xb8;
	[tilespmem:$0x1CC00] =	vst v63  }
0x3f: {  	_ =	swait.ge [sflag:s13], $0x2000  }
0x40: {  	[sflag:s13] =	ssyncset.done $0x0  }
0x41: {  	[sflag:s13] =	ssyncadd.s32 $0xFFFFE000  }
0x42: {  	_ =	swait.ge [sflag:s22], $0x2000  }
0x43: {  	[sflag:s22] =	ssyncset.done $0x0  }
0x44: {  	s30 =	sadd.s32 $0x100, s29;
	[sflag:s22] =	ssyncadd.s32 $0xFFFFE000  }
0x45: {  	[tilespmem:s19], [sflag:$0x1] =	stream.indirect.gather [spmem:s2], $0x40, s30, s18, $0xb8;
	[tilespmem:$0x1CC00] =	vst v63  }
.Ltmp0:
0x46: {  	_ = 	snop;
	(pc) =	sbr.rel @p0 .LBB2_2-.Ltmp0, $4  }
0x47: {  	s29 =	sadd.s32 $0x2880, s29  }
0x48: {  	[spmem:s3] =	stream.indirect.scatter.add.f32 [tilespmem:s21], [sflag:$0x3], $0x40, s29, s18, $0xb8;
	[tilespmem:$0x1CC00] =	vst v63  }
0x49: {  	_ =	swait.ge [sflag:s13], $0x2000  }
0x4a: {  	[sflag:s13] =	ssyncset.done $0x0  }
0x4b: {  	[sflag:s13] =	ssyncadd.s32 $0xFFFFE000  }
0x4c: {  	_ =	swait.ge [sflag:s20], $0x2000  }
0x4d: {  	[sflag:s20] =	ssyncset.done $0x0  }
0x4e: {  	[sflag:s20] =	ssyncadd.s32 $0xFFFFE000  }
0x4f: {  	[tilespmem:s21], [sflag:$0x2] =	stream.indirect.gather [spmem:s2], $0x40, s23, s18, $0xb8;
	[tilespmem:$0x1CC00] =	vst v63  }
0x50: {  	_ = 	snop  }
0x51: {  	[spmem:s3] =	stream.indirect.scatter.add.f32 [tilespmem:s19], [sflag:$0x3], $0x40, s24, s18, $0xb8;
	[tilespmem:$0x1CC00] =	vst v63  }
0x52: {  	_ =	swait.ge [sflag:s13], $0x2000  }
0x53: {  	[sflag:s13] =	ssyncset.done $0x0  }
0x54: {  	[sflag:s13] =	ssyncadd.s32 $0xFFFFE000  }
0x55: {  	_ =	swait.ge [sflag:s22], $0x2000  }
0x56: {  	[sflag:s22] =	ssyncset.done $0x0  }
0x57: {  	[sflag:s22] =	ssyncadd.s32 $0xFFFFE000  }
0x58: {  	[spmem:s3] =	stream.indirect.scatter.add.f32 [tilespmem:s21], [sflag:$0x3], $0x40, s25, s18, $0xb8;
	[tilespmem:$0x1CC00] =	vst v63  }
0x59: {  	_ =	swait.ge [sflag:s13], $0x2000  }
0x5a: {  	[sflag:s13] =	ssyncset.done $0x0  }
0x5b: {  	[sflag:s13] =	ssyncadd.s32 $0xFFFFE000  }
0x5c: {  	[bflag:$0x0] =	sbarrier.arrive $0xFFFF  }
0x5d: {  	[hbm:s9], [sflag:s15] =	dma.local [spmem:s17], $0x13C0  }
0x5e: {  	_ =	swait.ge [sflag:s13], $0x13C0  }
0x5f: {  	[sflag:s13] =	ssyncset.done $0x0  }
0x60: {  	[sflag:s13] =	ssyncadd.s32 $0xFFFFEC40  }
0x61: {  	[spmem:s16], [sflag:s15] =	dma.local [hbm:s10], $0x13C0  }
0x62: {  	_ =	swait.ge [sflag:s13], $0x13C0  }
0x63: {  	[sflag:s13] =	ssyncset.done $0x0  }
0x64: {  	[sflag:s13] =	ssyncadd.s32 $0xFFFFEC40  }
0x65: {  	[spmem:s17], [sflag:s15] =	dma.local [hbm:s5], $0x13C0  }
0x66: {  	_ =	swait.ge [sflag:s13], $0x13C0  }
0x67: {  	[sflag:s13] =	ssyncset.done $0x0  }
0x68: {  	[sflag:s13] =	ssyncadd.s32 $0xFFFFEC40  }
0x69: {  	s28 =	simm.s32 $0x0;
	[bflag:$0x0] =	sbarrier.arrive $0xFFFF  }
0x6a: {  	[tilespmem:s19], [sflag:$0x1] =	stream.indirect.gather [spmem:s2], $0x40, s28, s18, $0xb8;
	[tilespmem:$0x1CC00] =	vst v63  }
0x6b: {  	_ =	swait.ge [sflag:s20], $0x2000  }
0x6c: {  	[sflag:s20] =	ssyncset.done $0x0  }
0x6d: {  	s28 =	simm.s32 $0x80;
	[sflag:s20] =	ssyncadd.s32 $0xFFFFE000  }
0x6e: {  	[tilespmem:s21], [sflag:$0x2] =	stream.indirect.gather [spmem:s2], $0x40, s28, s18, $0xb8;
	[tilespmem:$0x1CC00] =	vst v63  }
0x6f: {  	s28 =	simm.s32 $0x2800  }
0x70: {  	[spmem:s3] =	stream.indirect.scatter.add.f32 [tilespmem:s19], [sflag:$0x3], $0x40, s28, s18, $0xb8;
	[tilespmem:$0x1CC00] =	vst v63  }
0x71: {  	_ =	swait.ge [sflag:s13], $0x2000  }
0x72: {  	[sflag:s13] =	ssyncset.done $0x0  }
0x73: {  	[sflag:s13] =	ssyncadd.s32 $0xFFFFE000  }
0x74: {  	_ =	swait.ge [sflag:s22], $0x2000  }
0x75: {  	[sflag:s22] =	ssyncset.done $0x0  }
0x76: {  	s28 =	simm.s32 $0x100;
	[sflag:s22] =	ssyncadd.s32 $0xFFFFE000  }
0x77: {  	[tilespmem:s19], [sflag:$0x1] =	stream.indirect.gather [spmem:s2], $0x40, s28, s18, $0xb8;
	[tilespmem:$0x1CC00] =	vst v63  }
0x78: {  	s28 =	simm.s32 $0x2880  }
0x79: {  	[spmem:s3] =	stream.indirect.scatter.add.f32 [tilespmem:s21], [sflag:$0x3], $0x40, s28, s18, $0xb8;
	[tilespmem:$0x1CC00] =	vst v63  }
0x7a: {  	_ =	swait.ge [sflag:s13], $0x2000  }
0x7b: {  	s28 =	simm.s32 $0x400;
	[sflag:s13] =	ssyncset.done $0x0  }
.LBB2_4:
0x7c: {  	p0 =	sne.s32 s28, $0x9800  }
0x7d: {  	[sflag:s13] =	ssyncadd.s32 $0xFFFFE000;
	s29 =	smov.u32 s28;
	s28 =	sadd.s32 $0x400, s28  }
0x7e: {  	_ = 	snop  }
0x7f: {  	_ =	swait.ge [sflag:s20], $0x2000  }
0x80: {  	s29 =	sshra.s32 s29, $0x2;
	[sflag:s20] =	ssyncset.done $0x0  }
0x81: {  	s30 =	sadd.s32 $0x80, s29;
	[sflag:s20] =	ssyncadd.s32 $0xFFFFE000  }
0x82: {  	[tilespmem:s21], [sflag:$0x2] =	stream.indirect.gather [spmem:s2], $0x40, s30, s18, $0xb8;
	[tilespmem:$0x1CC00] =	vst v63  }
0x83: {  	s30 =	sadd.s32 $0x2800, s29  }
0x84: {  	[spmem:s3] =	stream.indirect.scatter.add.f32 [tilespmem:s19], [sflag:$0x3], $0x40, s30, s18, $0xb8;
	[tilespmem:$0x1CC00] =	vst v63  }
0x85: {  	_ =	swait.ge [sflag:s13], $0x2000  }
0x86: {  	[sflag:s13] =	ssyncset.done $0x0  }
0x87: {  	[sflag:s13] =	ssyncadd.s32 $0xFFFFE000  }
0x88: {  	_ =	swait.ge [sflag:s22], $0x2000  }
0x89: {  	[sflag:s22] =	ssyncset.done $0x0  }
0x8a: {  	s30 =	sadd.s32 $0x100, s29;
	[sflag:s22] =	ssyncadd.s32 $0xFFFFE000  }
0x8b: {  	[tilespmem:s19], [sflag:$0x1] =	stream.indirect.gather [spmem:s2], $0x40, s30, s18, $0xb8;
	[tilespmem:$0x1CC00] =	vst v63  }
.Ltmp1:
0x8c: {  	_ = 	snop;
	(pc) =	sbr.rel @p0 .LBB2_4-.Ltmp1, $4  }
0x8d: {  	s29 =	sadd.s32 $0x2880, s29  }
0x8e: {  	[spmem:s3] =	stream.indirect.scatter.add.f32 [tilespmem:s21], [sflag:$0x3], $0x40, s29, s18, $0xb8;
	[tilespmem:$0x1CC00] =	vst v63  }
0x8f: {  	_ =	swait.ge [sflag:s13], $0x2000  }
0x90: {  	[sflag:s13] =	ssyncset.done $0x0  }
0x91: {  	[sflag:s13] =	ssyncadd.s32 $0xFFFFE000  }
0x92: {  	_ =	swait.ge [sflag:s20], $0x2000  }
0x93: {  	[sflag:s20] =	ssyncset.done $0x0  }
0x94: {  	[sflag:s20] =	ssyncadd.s32 $0xFFFFE000  }
0x95: {  	[tilespmem:s21], [sflag:$0x2] =	stream.indirect.gather [spmem:s2], $0x40, s23, s18, $0xb8;
	[tilespmem:$0x1CC00] =	vst v63  }
0x96: {  	_ = 	snop  }
0x97: {  	[spmem:s3] =	stream.indirect.scatter.add.f32 [tilespmem:s19], [sflag:$0x3], $0x40, s24, s18, $0xb8;
	[tilespmem:$0x1CC00] =	vst v63  }
0x98: {  	_ =	swait.ge [sflag:s13], $0x2000  }
0x99: {  	[sflag:s13] =	ssyncset.done $0x0  }
0x9a: {  	[sflag:s13] =	ssyncadd.s32 $0xFFFFE000  }
0x9b: {  	_ =	swait.ge [sflag:s22], $0x2000  }
0x9c: {  	[sflag:s22] =	ssyncset.done $0x0  }
0x9d: {  	[sflag:s22] =	ssyncadd.s32 $0xFFFFE000  }
0x9e: {  	[spmem:s3] =	stream.indirect.scatter.add.f32 [tilespmem:s21], [sflag:$0x3], $0x40, s25, s18, $0xb8;
	[tilespmem:$0x1CC00] =	vst v63  }
0x9f: {  	_ =	swait.ge [sflag:s13], $0x2000  }
0xa0: {  	s26 =	sadd.s32 $0x1, s26;
	[sflag:s13] =	ssyncset.done $0x0  }
0xa1: {  	p0 =	sne.s32 s26, s12;
	[sflag:s13] =	ssyncadd.s32 $0xFFFFE000  }
.Ltmp2:
0xa2: {  	[bflag:$0x0] =	sbarrier.arrive $0xFFFF;
	(pc) =	sbr.rel @p0 .LBB2_1-.Ltmp2, $4  }
0xa3: {  	[hbm:s11], [sflag:s15] =	dma.local [spmem:s17], $0x13C0  }
0xa4: {  	_ =	swait.ge [sflag:s13], $0x13C0  }
0xa5: {  	[sflag:s13] =	ssyncset.done $0x0  }
0xa6: {  	[sflag:s13] =	ssyncadd.s32 $0xFFFFEC40  }
0xa7: {  	_ =	sfence.sel $0x180000  }
0xa8: {  	[bflag:$0x0] =	sbarrier.arrive $0xFFFF  }
0xa9: {  	p0 =	sne.s32 s1, $0x0;
	_ =	strace $0x9000004A  }
0xaa: {  	s0 =	sadd.s32 @!p0 $0x100000, s0;
	[bflag:$0x2] =	sbarrier.arrive $0xFFFF  }
0xab: {  	[sflag:s0] =	ssyncadd.tile.s32 @!p0 $0x1;
	_ =	shalt  }
.Lfunc_end2:
_tile_overlayer_lowered:
.L_overlay_start_2:
0xac: {  	(tag) =	ssettag $0x2  }
0xad: {  	s0 =	rddreg [dreg:$0x0];
	s2 =	stileid.u32  }
0xae: {  	s1 =	rddreg [dreg:$0x1];
	p0 =	sne.s32 s2, $0x0  }
0xaf: {  	s3 =	rddreg [dreg:$0x2];
	[bflag:$0x3] =	sbarrier.arrive $0xFFFF;
	s2 =	simm.s32 @!p0 $0x1C03  }
0xb0: {  	[timem:s3], [sflag:s2] =	dma.local @!p0 [hbm:s0], s1  }
0xb1: {  	s0 =	simm.s32 @!p0 $0x3  }
0xb2: {  	_ =	swait.ge @!p0 [sflag:s0], s1  }
0xb3: {  	s1 =	ssub.s32 @!p0 $0x0, s1;
	[sflag:s0] =	ssyncset.done @!p0 $0x0  }
0xb4: {  	[sflag:s0] =	ssyncadd.s32 @!p0 s1  }
0xb5: {  	[bflag:$0x3] =	sbarrier.arrive $0xFFFF  }
0xb6: {  	_ =	shalt  }

// kernel: kernel.14.cloned.1.call-start
scs
__scs_entry_jumppad:
0x0: {  	(pc) =	sbr.rel $0x88, $3  }
0x1: {  	(tag) =	ssettag $0x0;
	lr =	simm.s32 $0x1  }
0x2: {  	[smem:$0x3F99] =	sst lr;
	_ =	strace $0xD0000000  }
0x3: {  	_ = 	snop  }
0x4: {  	_ = 	snop  }
0x5: {  	_ = 	snop  }
0x6: {  	_ = 	snop  }
0x7: {  	_ = 	snop  }
__scs_overlays_trampoline_lowered:
0x8: {  	[smem:$0x3FA8] =	sst s0  }
0x9: {  	[smem:$0x3FA9] =	sst s1  }
0xa: {  	[smem:$0x3FAA] =	sst s2  }
0xb: {  	[smem:$0x3FAB] =	sst s3  }
0xc: {  	[smem:$0x3FAC] =	sst s4  }
0xd: {  	[smem:$0x3FAD] =	sst s5  }
0xe: {  	[smem:$0x3FAE] =	sst s6  }
0xf: {  	[smem:$0x3FAF] =	sst s7  }
0x10: {  	[smem:$0x3FB0] =	sst s8  }
0x11: {  	[smem:$0x3FB1] =	sst s9;
	s0 =	simm.s32 @!p0 $0x0  }
0x12: {  	s1 =	sld [smem:$0x3F97];
	s0 =	simm.s32 @p0 $0x1  }
0x13: {  	[smem:$0x3FB2] =	sst s0;
	s0 =	simm.s32 @!p1 $0x0  }
0x14: {  	s2 =	sld [smem:$0x3F96];
	s0 =	simm.s32 @p1 $0x1  }
0x15: {  	[smem:$0x3FB3] =	sst s0;
	s0 =	simm.s32 @!p2 $0x0  }
0x16: {  	s3 =	sld [smem:$0x3FDB];
	s0 =	simm.s32 @p2 $0x1  }
0x17: {  	s4 =	simm.s32 $0x1BF5;
	[smem:$0x3FB5] =	sst s0  }
0x18: {  	s0 =	sld [smem:$0x3F98];
	_ =	swait.ge [sflag:s4], $0x0  }
0x19: {  	s7 =	sld [smem:$0x3F99]  }
0x1a: {  	s8 =	sadd.s32 $0xFFFFE003, lr  }
0x1b: {  	s9 =	sadd.s32 $0xFFFFFEF7, lr;
	s5 =	simm.s32 $0xFFFFFFFF;
	p2 =	slt.u32 s8, $0xFFFFF086  }
0x1c: {  	p1 =	slt.u32 s9, $0xF7A;
	s5 =	simm.s32 @!p2 $0x0  }
0x1d: {  	s5 =	simm.s32 @p1 $0x1;
	p0 =	seq.s32 s7, s2  }
0x1e: {  	s7 =	smul.u32 @!p0 $0xF7A, s2;
	p2 =	seq.s32 @!p0 s5, $0x0  }
0x1f: {  	s9 =	smul.u32 $0xF7A, s1;
	s8 =	simm.s32 @!p0 $0x1BF5;
	p2 =	por !p2, p0  }
0x20: {  	[sflag:s8] =	ssyncset.s32 @!p0 $0xFFFFF086;
	s6 =	sadd.s32 @!p0 s3, s7;
	s7 =	simm.s32 @!p0 $0x108  }
0x21: {  	s3 =	sadd.s32 s3, s9;
	s6 =	sadd.s32 @!p0 $0x88, s6;
	s7 =	simm.s32 @p2 $0x1082  }
0x22: {  	[simem:s7], [sflag:s8] =	dma.local @!p0 [hbm:s6], $0xF7A  }
0x23: {  	s9 =	sor.u32 $0xD0000000, s2;
	s6 =	simm.s32 $0x108;
	_ =	swait.ge @!p0 [sflag:s8], $0x0  }
0x24: {  	s3 =	sadd.s32 $0x88, s3;
	s6 =	simm.s32 @!p1 $0x1082;
	[sflag:s4] =	ssyncset.s32 $0xFFFFF086  }
0x25: {  	[simem:s6], [sflag:s4] =	dma.local [hbm:s3], $0xF7A  }
0x26: {  	[smem:$0x3F99] =	sst s1;
	(tag) =	ssettag s2;
	_ =	strace s9  }
0x27: {  	s1 =	sld [smem:$0x3FA9]  }
0x28: {  	s2 =	sld [smem:$0x3FAA]  }
0x29: {  	s4 =	sld [smem:$0x3FAC]  }
0x2a: {  	p0 =	seq.s32 s5, $0x0;
	s5 =	sld [smem:$0x3FAD]  }
0x2b: {  	s6 =	sld [smem:$0x3FAE]  }
0x2c: {  	s7 =	sld [smem:$0x3FAF]  }
0x2d: {  	s3 =	simm.s32 $0x108;
	s8 =	sld [smem:$0x3FB0]  }
0x2e: {  	s3 =	simm.s32 @!p0 $0x1082;
	s9 =	sld [smem:$0x3FB1]  }
0x2f: {  	lr =	sadd.s32 s0, s3;
	s0 =	sld [smem:$0x3FA8]  }
0x30: {  	s3 =	sld [smem:$0x3FAB]  }
0x31: {  	[smem:$0x3FB4] =	sst s10  }
0x32: {  	s10 =	sld [smem:$0x3FB2];
	_ =	sdelay $0x3  }
0x33: {  	p0 =	seq.s32 s10, $0x1;
	s10 =	sld [smem:$0x3FB4];
	_ =	sdelay $0x3  }
0x34: {  	[smem:$0x3FB4] =	sst s10  }
0x35: {  	s10 =	sld [smem:$0x3FB3];
	_ =	sdelay $0x3  }
0x36: {  	p1 =	seq.s32 s10, $0x1;
	s10 =	sld [smem:$0x3FB4];
	_ =	sdelay $0x3  }
0x37: {  	[smem:$0x3FB4] =	sst s10  }
0x38: {  	s10 =	sld [smem:$0x3FB5]  }
0x39: {  	_ = 	snop;
	(pc) =	sbr.ind lr, $3  }
0x3a: {  	_ = 	snop  }
0x3b: {  	_ = 	snop  }
0x3c: {  	p2 =	seq.s32 s10, $0x1;
	s10 =	sld [smem:$0x3FB4]  }
0x3d: {  	_ =	shalt  }
0x3e: {  	_ =	shalt  }
0x3f: {  	_ =	shalt  }
0x40: {  	_ =	shalt  }
0x41: {  	_ =	shalt  }
0x42: {  	_ =	shalt  }
0x43: {  	_ =	shalt  }
0x44: {  	_ =	shalt  }
0x45: {  	_ =	shalt  }
0x46: {  	_ =	shalt  }
0x47: {  	_ =	shalt  }
0x48: {  	_ =	shalt  }
0x49: {  	_ =	shalt  }
0x4a: {  	_ =	shalt  }
0x4b: {  	_ =	shalt  }
0x4c: {  	_ =	shalt  }
0x4d: {  	_ =	shalt  }
0x4e: {  	_ =	shalt  }
0x4f: {  	_ =	shalt  }
0x50: {  	_ =	shalt  }
0x51: {  	_ =	shalt  }
0x52: {  	_ =	shalt  }
0x53: {  	_ =	shalt  }
0x54: {  	_ =	shalt  }
0x55: {  	_ =	shalt  }
0x56: {  	_ =	shalt  }
0x57: {  	_ =	shalt  }
0x58: {  	_ =	shalt  }
0x59: {  	_ =	shalt  }
0x5a: {  	_ =	shalt  }
0x5b: {  	_ =	shalt  }
0x5c: {  	_ =	shalt  }
0x5d: {  	_ =	shalt  }
0x5e: {  	_ =	shalt  }
0x5f: {  	_ =	shalt  }
0x60: {  	_ =	shalt  }
0x61: {  	_ =	shalt  }
0x62: {  	_ =	shalt  }
0x63: {  	_ =	shalt  }
0x64: {  	_ =	shalt  }
0x65: {  	_ =	shalt  }
0x66: {  	_ =	shalt  }
0x67: {  	_ =	shalt  }
0x68: {  	_ =	shalt  }
0x69: {  	_ =	shalt  }
0x6a: {  	_ =	shalt  }
0x6b: {  	_ =	shalt  }
0x6c: {  	_ =	shalt  }
0x6d: {  	_ =	shalt  }
0x6e: {  	_ =	shalt  }
0x6f: {  	_ =	shalt  }
0x70: {  	_ =	shalt  }
0x71: {  	_ =	shalt  }
0x72: {  	_ =	shalt  }
0x73: {  	_ =	shalt  }
0x74: {  	_ =	shalt  }
0x75: {  	_ =	shalt  }
0x76: {  	_ =	shalt  }
0x77: {  	_ =	shalt  }
0x78: {  	_ =	shalt  }
0x79: {  	_ =	shalt  }
0x7a: {  	_ =	shalt  }
0x7b: {  	_ =	shalt  }
0x7c: {  	_ =	shalt  }
0x7d: {  	_ =	shalt  }
0x7e: {  	_ =	shalt  }
0x7f: {  	_ =	shalt  }
0x80: {  	_ =	shalt  }
0x81: {  	_ =	shalt  }
0x82: {  	_ =	shalt  }
0x83: {  	_ =	shalt  }
0x84: {  	_ =	shalt  }
0x85: {  	_ =	shalt  }
0x86: {  	_ =	shalt  }
0x87: {  	_ =	shalt  }
.Lfunc_end0:
.L_simem_size_0:
called_computation.2_lowered:
.L_overlay_start_0:
0x88: {  	s2 =	sld [smem:$0x3FD9]  }
0x89: {  	s3 =	sld [smem:$0x3FFE];
	_ =	sdelay $0x1  }
0x8a: {  	s1 =	srdreg.scid  }
0x8b: {  	s0 =	sand.u32 $0x1, s1  }
0x8c: {  	s17 =	sshll.u32 s0, $0xA;
	s2 =	sadd.s32 s3, s2  }
0x8d: {  	s2 =	sadd.s32 s2, s17  }
0x8e: {  	[smem:$0x3FC0] =	sst s2  }
0x8f: {  	_ = 	snop  }
0x90: {  	s2 =	sld [smem:$0x3FD0];
	(tm) =	ssettm $0x1  }
0x91: {  	s18 =	sld [smem:$0x3FFB];
	_ =	sdelay $0x3  }
0x92: {  	_ =	strace s18  }
0x93: {  	s3 =	sld [smem:$0x3FFC];
	_ =	sdelay $0x3  }
0x94: {  	_ =	strace s3  }
0x95: {  	s3 =	sld [smem:$0x3FFD];
	_ =	sdelay $0x3  }
0x96: {  	_ =	strace s3  }
0x97: {  	_ =	strace $0x8FFFFFFF  }
0x98: {  	s19 =	sld [smem:$0x3FDB];
	_ =	sdelay $0x1  }
0x99: {  	s4 =	simm.s32 $_scs_section_size  }
0x9a: {  	s5 =	simm.s32 $_size__tile_overlayer_lowered;
	s6 =	simm.s32 $_tile_overlayer_lowered  }
0x9b: {  	s22 =	simm.s32 $0x1BFF;
	s21 =	sshll.u32 s6, $0x1;
	s3 =	sadd.s32 s4, s19  }
0x9c: {  	s7 =	simm.s32 $0x0;
	s20 =	sshll.u32 s5, $0x1;
	s5 =	sadd.s32 s21, s3  }
0x9d: {  	[timem:s7], [sflag:s22] =	dma.local [hbm:s5], s20  }
0x9e: {  	_ =	swait.ge [sflag:s22], s20  }
0x9f: {  	s4 =	ssub.s32 $0x0, s20;
	[sflag:s22] =	ssyncset.done $0x0  }
0xa0: {  	[sflag:s22] =	ssyncadd.s32 s4;
	_ =	sdelay $0x1  }
0xa1: {  	s23 =	simm.s32 $0x1B8B  }
0xa2: {  	_ =	swait.ge [sflag:s23], $0x1  }
0xa3: {  	[sflag:s23] =	ssyncset.done $0x0  }
0xa4: {  	s25 =	simm.s32 $0x1B8E;
	s24 =	sld [smem:$0x3FFE];
	[sflag:s23] =	ssyncadd.s32 $0xFFFFFFFF  }
0xa5: {  	s26 =	simm.s32 $execute0_lowered;
	[smem:$0x3FD2] =	sst s25  }
0xa6: {  	s5 =	sshll.u32 s26, $0x1;
	_ =	strace $0x8000004C;
	[dreg:$0x1] =	wrdreg $0xFFFFFFFF  }
0xa7: {  	s28 =	simm.s32 $_size_execute0_lowered;
	s3 =	sadd.s32 s3, s5;
	[dreg:$0x0] =	wrdreg $0x0  }
0xa8: {  	s5 =	sshll.u32 s28, $0x1;
	[dreg:$0x2] =	wrdreg s3  }
0xa9: {  	[dreg:$0x3] =	wrdreg s5  }
0xaa: {  	[dreg:$0x4] =	wrdreg $0xC0  }
0xab: {  	_ =	task [dreg:s7], $0x5FFFF  }
0xac: {  	[dreg:$0x1] =	wrdreg $0xFFFFFFFF  }
0xad: {  	[dreg:$0x0] =	wrdreg $0x60  }
0xae: {  	[dreg:$0x2] =	wrdreg s2  }
0xaf: {  	[dreg:$0x3] =	wrdreg s24  }
0xb0: {  	[dreg:$0x4] =	wrdreg $0x90000  }
0xb1: {  	[dreg:$0x5] =	wrdreg $0x12E000  }
0xb2: {  	[dreg:$0x6] =	wrdreg $0x9  }
0xb3: {  	_ =	task.clear_ibuf [dreg:s7], $0x7FFFF;
	_ =	strace $0x9000004C  }
0xb4: {  	s29 =	simm.s32 $0x9;
	_ =	strace $0x8000004E  }
0xb5: {  	_ =	swait.ge [sflag:s29], $0x1  }
0xb6: {  	[sflag:s29] =	ssyncadd.s32 $0xFFFFFFFF  }
0xb7: {  	_ =	strace $0x9000004E  }
0xb8: {  	_ =	sfence  }
0xb9: {  	s30 =	sld [smem:$0x0];
	_ =	sdelay $0x2  }
0xba: {  	s31 =	sshll.u32 s1, $0xD;
	s1 =	sshrl.u32 s1, $0x2  }
0xbb: {  	s3 =	sand.u32 $0x4000, s31;
	s1 =	sadd.s32 s1, s30  }
0xbc: {  	s0 =	sor.u32 s3, s0;
	s1 =	sshll.u32 s1, $0x11  }
0xbd: {  	s0 =	sor.u32 s1, s0  }
0xbe: {  	s0 =	sadd.s32 $0x8F2B, s0  }
0xbf: {  	[sflag:s0] =	ssyncadd.remote.s32 $0x1  }
0xc0: {  	_ =	sfence.sel $0xFFFF  }
0xc1: {  	[dreg:$0x0] =	wrdreg $0xFFFFFFFF;
	(pc) =	sbr.abs _section_cstart, $3  }
0xc2: {  	[dreg:$0x1] =	wrdreg $0xFFFFFFFF  }
0xc3: {  	_ =	task.clear_ibuf [dreg:s7], $0x2FFFF;
	_ =	strace $0x9FFFFFFF  }
0xc4: {  	(tm) =	ssettm $0x7FFFFFFF  }
0xc5: {  	_ =	shalt  }
tec
execute0_lowered:
.L_overlay_start_1:
0x0: {  	(tag) =	ssettag $0x1  }
0x1: {  	s8 =	rddreg [dreg:$0x0]  }
0x2: {  	s6 =	rddreg [dreg:$0x1]  }
0x3: {  	s2 =	rddreg [dreg:$0x2]  }
0x4: {  	s0 =	srdreg.scid;
	s3 =	rddreg [dreg:$0x3]  }
0x5: {  	s1 =	stileid.u32;
	s4 =	simm.s32 $0x0;
	s16 =	simm.s32 $0x80  }
0x6: {  	s17 =	simm.s32 $0x5000;
	s18 =	simm.s32 $0x1;
	s19 =	simm.s32 $0x7000  }
0x7: {  	s20 =	simm.s32 $0x2;
	s21 =	simm.s32 $0x2780;
	s22 =	simm.s32 $0x4F00  }
0x8: {  	s23 =	simm.s32 $0x4F80;
	s5 =	sand.u32 $0x1, s0;
	s0 =	rddreg [dreg:$0x4]  }
0x9: {  	s24 =	simm.s32 $0x0;
	s9 =	smul.u32 $0x9E00, s1;
	[smem:$0x7FF] =	sst s4  }
0xa: {  	s13 =	sshll.u32 s1, $0x6;
	s7 =	sshll.u32 s5, $0x4;
	s10 =	smul.u32 $0x9E000, s5  }
0xb: {  	_ =	strace $0x8000004D;
	s11 =	ssub.s32 $0x2, s5;
	s5 =	sadd.s32 $0x3E000, s6  }
0xc: {  	s13 =	sor.u32 $0x1C03, s13;
	s7 =	sor.u32 s1, s7;
	s31 =	sshrl.u32 s11, $0x1  }
0xd: {  	s12 =	sshrl.u32 s9, $0x3;
	s14 =	sadd.s32 s9, s2;
	s15 =	sadd.s32 s9, s3  }
0xe: {  	s7 =	smul.u32 $0x500, s7;
	s10 =	sadd.s32 s9, s10;
	s11 =	ssub.s32 s11, s31  }
0xf: {  	s8 =	sadd.s32 s8, s12;
	s12 =	simm.s32 $0x2800;
	s14 =	sshrl.u32 s14, $0x3  }
0x10: {  	s15 =	sshrl.u32 s15, $0x3;
	s10 =	sshrl.u32 s10, $0x3;
	s7 =	sadd.s32 s7, s6  }
0x11: {  	s10 =	sadd.s32 s10, s6;
	s6 =	sadd.s32 $0xC800, s7;
	s7 =	sadd.s32 $0x2000, s7  }
0x12: {  	s9 =	sadd.s32 $0x3F400, s10;
	s10 =	smax.u32 s11, $0x1;
	s11 =	simm.s32 $0x3  }
.LBB2_1:
0x13: {  	[tilespmem:s4], [sflag:$0x3] =	stream.linear.gather [hbm4b:s6+s4], $0x2800, $0x38;
	[tilespmem:$0x1CC00] =	vst v63  }
0x14: {  	_ =	swait.ge [sflag:s11], $0x2800  }
0x15: {  	[sflag:s11] =	ssyncset.done $0x0  }
0x16: {  	[sflag:s11] =	ssyncadd.s32 $0xFFFFD800  }
0x17: {  	[tilespmem:s12], [sflag:$0x3] =	stream.linear.gather [hbm4b:s7+s4], $0x2800, $0x38;
	[tilespmem:$0x1CC00] =	vst v63  }
0x18: {  	_ =	swait.ge [sflag:s11], $0x2800  }
0x19: {  	[sflag:s11] =	ssyncset.done $0x0  }
0x1a: {  	[sflag:s11] =	ssyncadd.s32 $0xFFFFD800  }
0x1b: {  	[spmem:s14], [sflag:s13] =	dma.local [hbm:s8], $0x13C0  }
0x1c: {  	_ =	swait.ge [sflag:s11], $0x13C0  }
0x1d: {  	[sflag:s11] =	ssyncset.done $0x0  }
0x1e: {  	[sflag:s11] =	ssyncadd.s32 $0xFFFFEC40  }
0x1f: {  	[spmem:s15], [sflag:s13] =	dma.local [hbm:s5], $0x13C0  }
0x20: {  	_ =	swait.ge [sflag:s11], $0x13C0  }
0x21: {  	[sflag:s11] =	ssyncset.done $0x0  }
0x22: {  	[sflag:s11] =	ssyncadd.s32 $0xFFFFEC40  }
0x23: {  	[bflag:$0x0] =	sbarrier.arrive $0xFFFF  }
0x24: {  	[tilespmem:s17], [sflag:$0x1] =	stream.indirect.gather [spmem:s2], $0x40, s4, s16, $0xb8;
	[tilespmem:$0x1CC00] =	vst v63  }
0x25: {  	_ =	swait.ge [sflag:s18], $0x2000  }
0x26: {  	[sflag:s18] =	ssyncset.done $0x0  }
0x27: {  	s25 =	simm.s32 $0x80;
	[sflag:s18] =	ssyncadd.s32 $0xFFFFE000  }
0x28: {  	[tilespmem:s19], [sflag:$0x2] =	stream.indirect.gather [spmem:s2], $0x40, s25, s16, $0xb8;
	[tilespmem:$0x1CC00] =	vst v63  }
0x29: {  	s29 =	simm.s32 $0x2800  }
0x2a: {  	[spmem:s3] =	stream.indirect.scatter.add.f32 [tilespmem:s17], [sflag:$0x3], $0x40, s29, s16, $0xb8;
	[tilespmem:$0x1CC00] =	vst v63  }
0x2b: {  	_ =	swait.ge [sflag:s11], $0x2000  }
0x2c: {  	[sflag:s11] =	ssyncset.done $0x0  }
0x2d: {  	[sflag:s11] =	ssyncadd.s32 $0xFFFFE000  }
0x2e: {  	_ =	swait.ge [sflag:s20], $0x2000  }
0x2f: {  	[sflag:s20] =	ssyncset.done $0x0  }
0x30: {  	s30 =	simm.s32 $0x100;
	[sflag:s20] =	ssyncadd.s32 $0xFFFFE000  }
0x31: {  	[tilespmem:s17], [sflag:$0x1] =	stream.indirect.gather [spmem:s2], $0x40, s30, s16, $0xb8;
	[tilespmem:$0x1CC00] =	vst v63  }
0x32: {  	s31 =	simm.s32 $0x2880  }
0x33: {  	[spmem:s3] =	stream.indirect.scatter.add.f32 [tilespmem:s19], [sflag:$0x3], $0x40, s31, s16, $0xb8;
	[tilespmem:$0x1CC00] =	vst v63  }
0x34: {  	_ =	swait.ge [sflag:s11], $0x2000  }
0x35: {  	s25 =	simm.s32 $0x400;
	[sflag:s11] =	ssyncset.done $0x0  }
.LBB2_2:
0x36: {  	p0 =	sne.s32 s25, $0x9800  }
0x37: {  	[sflag:s11] =	ssyncadd.s32 $0xFFFFE000;
	s26 =	smov.u32 s25;
	s25 =	sadd.s32 $0x400, s25  }
0x38: {  	_ = 	snop  }
0x39: {  	_ =	swait.ge [sflag:s18], $0x2000  }
0x3a: {  	s26 =	sshra.s32 s26, $0x2;
	[sflag:s18] =	ssyncset.done $0x0  }
0x3b: {  	s28 =	sadd.s32 $0x80, s26;
	[sflag:s18] =	ssyncadd.s32 $0xFFFFE000  }
0x3c: {  	[tilespmem:s19], [sflag:$0x2] =	stream.indirect.gather [spmem:s2], $0x40, s28, s16, $0xb8;
	[tilespmem:$0x1CC00] =	vst v63  }
0x3d: {  	s28 =	sadd.s32 $0x2800, s26  }
0x3e: {  	[spmem:s3] =	stream.indirect.scatter.add.f32 [tilespmem:s17], [sflag:$0x3], $0x40, s28, s16, $0xb8;
	[tilespmem:$0x1CC00] =	vst v63  }
0x3f: {  	_ =	swait.ge [sflag:s11], $0x2000  }
0x40: {  	[sflag:s11] =	ssyncset.done $0x0  }
0x41: {  	[sflag:s11] =	ssyncadd.s32 $0xFFFFE000  }
0x42: {  	_ =	swait.ge [sflag:s20], $0x2000  }
0x43: {  	[sflag:s20] =	ssyncset.done $0x0  }
0x44: {  	s28 =	sadd.s32 $0x100, s26;
	[sflag:s20] =	ssyncadd.s32 $0xFFFFE000  }
0x45: {  	[tilespmem:s17], [sflag:$0x1] =	stream.indirect.gather [spmem:s2], $0x40, s28, s16, $0xb8;
	[tilespmem:$0x1CC00] =	vst v63  }
.Ltmp0:
0x46: {  	_ = 	snop;
	(pc) =	sbr.rel @p0 .LBB2_2-.Ltmp0, $4  }
0x47: {  	s26 =	sadd.s32 $0x2880, s26  }
0x48: {  	[spmem:s3] =	stream.indirect.scatter.add.f32 [tilespmem:s19], [sflag:$0x3], $0x40, s26, s16, $0xb8;
	[tilespmem:$0x1CC00] =	vst v63  }
0x49: {  	_ =	swait.ge [sflag:s11], $0x2000  }
0x4a: {  	[sflag:s11] =	ssyncset.done $0x0  }
0x4b: {  	[sflag:s11] =	ssyncadd.s32 $0xFFFFE000  }
0x4c: {  	_ =	swait.ge [sflag:s18], $0x2000  }
0x4d: {  	[sflag:s18] =	ssyncset.done $0x0  }
0x4e: {  	[sflag:s18] =	ssyncadd.s32 $0xFFFFE000  }
0x4f: {  	[tilespmem:s19], [sflag:$0x2] =	stream.indirect.gather [spmem:s2], $0x40, s21, s16, $0xb8;
	[tilespmem:$0x1CC00] =	vst v63  }
0x50: {  	_ = 	snop  }
0x51: {  	[spmem:s3] =	stream.indirect.scatter.add.f32 [tilespmem:s17], [sflag:$0x3], $0x40, s22, s16, $0xb8;
	[tilespmem:$0x1CC00] =	vst v63  }
0x52: {  	_ =	swait.ge [sflag:s11], $0x2000  }
0x53: {  	[sflag:s11] =	ssyncset.done $0x0  }
0x54: {  	[sflag:s11] =	ssyncadd.s32 $0xFFFFE000  }
0x55: {  	_ =	swait.ge [sflag:s20], $0x2000  }
0x56: {  	[sflag:s20] =	ssyncset.done $0x0  }
0x57: {  	[sflag:s20] =	ssyncadd.s32 $0xFFFFE000  }
0x58: {  	[spmem:s3] =	stream.indirect.scatter.add.f32 [tilespmem:s19], [sflag:$0x3], $0x40, s23, s16, $0xb8;
	[tilespmem:$0x1CC00] =	vst v63  }
0x59: {  	_ =	swait.ge [sflag:s11], $0x2000  }
0x5a: {  	s24 =	sadd.s32 $0x1, s24;
	[sflag:s11] =	ssyncset.done $0x0  }
0x5b: {  	p0 =	sne.s32 s24, s10;
	[sflag:s11] =	ssyncadd.s32 $0xFFFFE000  }
.Ltmp1:
0x5c: {  	[bflag:$0x0] =	sbarrier.arrive $0xFFFF;
	(pc) =	sbr.rel @p0 .LBB2_1-.Ltmp1, $4  }
0x5d: {  	[hbm:s9], [sflag:s13] =	dma.local [spmem:s15], $0x13C0  }
0x5e: {  	_ =	swait.ge [sflag:s11], $0x13C0  }
0x5f: {  	[sflag:s11] =	ssyncset.done $0x0  }
0x60: {  	[sflag:s11] =	ssyncadd.s32 $0xFFFFEC40  }
0x61: {  	_ =	sfence.sel $0x180000  }
0x62: {  	[bflag:$0x0] =	sbarrier.arrive $0xFFFF  }
0x63: {  	p0 =	sne.s32 s1, $0x0;
	_ =	strace $0x9000004D  }
0x64: {  	s0 =	sadd.s32 @!p0 $0x100000, s0;
	[bflag:$0x2] =	sbarrier.arrive $0xFFFF  }
0x65: {  	[sflag:s0] =	ssyncadd.tile.s32 @!p0 $0x1;
	_ =	shalt  }
.Lfunc_end2:
_tile_overlayer_lowered:
.L_overlay_start_2:
0x66: {  	(tag) =	ssettag $0x2  }
0x67: {  	s0 =	rddreg [dreg:$0x0];
	s2 =	stileid.u32  }
0x68: {  	s1 =	rddreg [dreg:$0x1];
	p0 =	sne.s32 s2, $0x0  }
0x69: {  	s3 =	rddreg [dreg:$0x2];
	[bflag:$0x3] =	sbarrier.arrive $0xFFFF;
	s2 =	simm.s32 @!p0 $0x1C03  }
0x6a: {  	[timem:s3], [sflag:s2] =	dma.local @!p0 [hbm:s0], s1  }
0x6b: {  	s0 =	simm.s32 @!p0 $0x3  }
0x6c: {  	_ =	swait.ge @!p0 [sflag:s0], s1  }
0x6d: {  	s1 =	ssub.s32 @!p0 $0x0, s1;
	[sflag:s0] =	ssyncset.done @!p0 $0x0  }
0x6e: {  	[sflag:s0] =	ssyncadd.s32 @!p0 s1  }
0x6f: {  	[bflag:$0x3] =	sbarrier.arrive $0xFFFF  }
0x70: {  	_ =	shalt  }

// kernel: kernel.8.cloned.1.call-start
scs
__scs_entry_jumppad:
0x0: {  	(pc) =	sbr.rel $0x88, $3  }
0x1: {  	(tag) =	ssettag $0x0;
	lr =	simm.s32 $0x1  }
0x2: {  	[smem:$0x3F99] =	sst lr;
	_ =	strace $0xD0000000  }
0x3: {  	_ = 	snop  }
0x4: {  	_ = 	snop  }
0x5: {  	_ = 	snop  }
0x6: {  	_ = 	snop  }
0x7: {  	_ = 	snop  }
__scs_overlays_trampoline_lowered:
0x8: {  	[smem:$0x3FA8] =	sst s0  }
0x9: {  	[smem:$0x3FA9] =	sst s1  }
0xa: {  	[smem:$0x3FAA] =	sst s2  }
0xb: {  	[smem:$0x3FAB] =	sst s3  }
0xc: {  	[smem:$0x3FAC] =	sst s4  }
0xd: {  	[smem:$0x3FAD] =	sst s5  }
0xe: {  	[smem:$0x3FAE] =	sst s6  }
0xf: {  	[smem:$0x3FAF] =	sst s7  }
0x10: {  	[smem:$0x3FB0] =	sst s8  }
0x11: {  	[smem:$0x3FB1] =	sst s9;
	s0 =	simm.s32 @!p0 $0x0  }
0x12: {  	s1 =	sld [smem:$0x3F97];
	s0 =	simm.s32 @p0 $0x1  }
0x13: {  	[smem:$0x3FB2] =	sst s0;
	s0 =	simm.s32 @!p1 $0x0  }
0x14: {  	s2 =	sld [smem:$0x3F96];
	s0 =	simm.s32 @p1 $0x1  }
0x15: {  	[smem:$0x3FB3] =	sst s0;
	s0 =	simm.s32 @!p2 $0x0  }
0x16: {  	s3 =	sld [smem:$0x3FDB];
	s0 =	simm.s32 @p2 $0x1  }
0x17: {  	s4 =	simm.s32 $0x1BF5;
	[smem:$0x3FB5] =	sst s0  }
0x18: {  	s0 =	sld [smem:$0x3F98];
	_ =	swait.ge [sflag:s4], $0x0  }
0x19: {  	s7 =	sld [smem:$0x3F99]  }
0x1a: {  	s8 =	sadd.s32 $0xFFFFE003, lr  }
0x1b: {  	s9 =	sadd.s32 $0xFFFFFEF7, lr;
	s5 =	simm.s32 $0xFFFFFFFF;
	p2 =	slt.u32 s8, $0xFFFFF086  }
0x1c: {  	p1 =	slt.u32 s9, $0xF7A;
	s5 =	simm.s32 @!p2 $0x0  }
0x1d: {  	s5 =	simm.s32 @p1 $0x1;
	p0 =	seq.s32 s7, s2  }
0x1e: {  	s7 =	smul.u32 @!p0 $0xF7A, s2;
	p2 =	seq.s32 @!p0 s5, $0x0  }
0x1f: {  	s9 =	smul.u32 $0xF7A, s1;
	s8 =	simm.s32 @!p0 $0x1BF5;
	p2 =	por !p2, p0  }
0x20: {  	[sflag:s8] =	ssyncset.s32 @!p0 $0xFFFFF086;
	s6 =	sadd.s32 @!p0 s3, s7;
	s7 =	simm.s32 @!p0 $0x108  }
0x21: {  	s3 =	sadd.s32 s3, s9;
	s6 =	sadd.s32 @!p0 $0x88, s6;
	s7 =	simm.s32 @p2 $0x1082  }
0x22: {  	[simem:s7], [sflag:s8] =	dma.local @!p0 [hbm:s6], $0xF7A  }
0x23: {  	s9 =	sor.u32 $0xD0000000, s2;
	s6 =	simm.s32 $0x108;
	_ =	swait.ge @!p0 [sflag:s8], $0x0  }
0x24: {  	s3 =	sadd.s32 $0x88, s3;
	s6 =	simm.s32 @!p1 $0x1082;
	[sflag:s4] =	ssyncset.s32 $0xFFFFF086  }
0x25: {  	[simem:s6], [sflag:s4] =	dma.local [hbm:s3], $0xF7A  }
0x26: {  	[smem:$0x3F99] =	sst s1;
	(tag) =	ssettag s2;
	_ =	strace s9  }
0x27: {  	s1 =	sld [smem:$0x3FA9]  }
0x28: {  	s2 =	sld [smem:$0x3FAA]  }
0x29: {  	s4 =	sld [smem:$0x3FAC]  }
0x2a: {  	p0 =	seq.s32 s5, $0x0;
	s5 =	sld [smem:$0x3FAD]  }
0x2b: {  	s6 =	sld [smem:$0x3FAE]  }
0x2c: {  	s7 =	sld [smem:$0x3FAF]  }
0x2d: {  	s3 =	simm.s32 $0x108;
	s8 =	sld [smem:$0x3FB0]  }
0x2e: {  	s3 =	simm.s32 @!p0 $0x1082;
	s9 =	sld [smem:$0x3FB1]  }
0x2f: {  	lr =	sadd.s32 s0, s3;
	s0 =	sld [smem:$0x3FA8]  }
0x30: {  	s3 =	sld [smem:$0x3FAB]  }
0x31: {  	[smem:$0x3FB4] =	sst s10  }
0x32: {  	s10 =	sld [smem:$0x3FB2];
	_ =	sdelay $0x3  }
0x33: {  	p0 =	seq.s32 s10, $0x1;
	s10 =	sld [smem:$0x3FB4];
	_ =	sdelay $0x3  }
0x34: {  	[smem:$0x3FB4] =	sst s10  }
0x35: {  	s10 =	sld [smem:$0x3FB3];
	_ =	sdelay $0x3  }
0x36: {  	p1 =	seq.s32 s10, $0x1;
	s10 =	sld [smem:$0x3FB4];
	_ =	sdelay $0x3  }
0x37: {  	[smem:$0x3FB4] =	sst s10  }
0x38: {  	s10 =	sld [smem:$0x3FB5]  }
0x39: {  	_ = 	snop;
	(pc) =	sbr.ind lr, $3  }
0x3a: {  	_ = 	snop  }
0x3b: {  	_ = 	snop  }
0x3c: {  	p2 =	seq.s32 s10, $0x1;
	s10 =	sld [smem:$0x3FB4]  }
0x3d: {  	_ =	shalt  }
0x3e: {  	_ =	shalt  }
0x3f: {  	_ =	shalt  }
0x40: {  	_ =	shalt  }
0x41: {  	_ =	shalt  }
0x42: {  	_ =	shalt  }
0x43: {  	_ =	shalt  }
0x44: {  	_ =	shalt  }
0x45: {  	_ =	shalt  }
0x46: {  	_ =	shalt  }
0x47: {  	_ =	shalt  }
0x48: {  	_ =	shalt  }
0x49: {  	_ =	shalt  }
0x4a: {  	_ =	shalt  }
0x4b: {  	_ =	shalt  }
0x4c: {  	_ =	shalt  }
0x4d: {  	_ =	shalt  }
0x4e: {  	_ =	shalt  }
0x4f: {  	_ =	shalt  }
0x50: {  	_ =	shalt  }
0x51: {  	_ =	shalt  }
0x52: {  	_ =	shalt  }
0x53: {  	_ =	shalt  }
0x54: {  	_ =	shalt  }
0x55: {  	_ =	shalt  }
0x56: {  	_ =	shalt  }
0x57: {  	_ =	shalt  }
0x58: {  	_ =	shalt  }
0x59: {  	_ =	shalt  }
0x5a: {  	_ =	shalt  }
0x5b: {  	_ =	shalt  }
0x5c: {  	_ =	shalt  }
0x5d: {  	_ =	shalt  }
0x5e: {  	_ =	shalt  }
0x5f: {  	_ =	shalt  }
0x60: {  	_ =	shalt  }
0x61: {  	_ =	shalt  }
0x62: {  	_ =	shalt  }
0x63: {  	_ =	shalt  }
0x64: {  	_ =	shalt  }
0x65: {  	_ =	shalt  }
0x66: {  	_ =	shalt  }
0x67: {  	_ =	shalt  }
0x68: {  	_ =	shalt  }
0x69: {  	_ =	shalt  }
0x6a: {  	_ =	shalt  }
0x6b: {  	_ =	shalt  }
0x6c: {  	_ =	shalt  }
0x6d: {  	_ =	shalt  }
0x6e: {  	_ =	shalt  }
0x6f: {  	_ =	shalt  }
0x70: {  	_ =	shalt  }
0x71: {  	_ =	shalt  }
0x72: {  	_ =	shalt  }
0x73: {  	_ =	shalt  }
0x74: {  	_ =	shalt  }
0x75: {  	_ =	shalt  }
0x76: {  	_ =	shalt  }
0x77: {  	_ =	shalt  }
0x78: {  	_ =	shalt  }
0x79: {  	_ =	shalt  }
0x7a: {  	_ =	shalt  }
0x7b: {  	_ =	shalt  }
0x7c: {  	_ =	shalt  }
0x7d: {  	_ =	shalt  }
0x7e: {  	_ =	shalt  }
0x7f: {  	_ =	shalt  }
0x80: {  	_ =	shalt  }
0x81: {  	_ =	shalt  }
0x82: {  	_ =	shalt  }
0x83: {  	_ =	shalt  }
0x84: {  	_ =	shalt  }
0x85: {  	_ =	shalt  }
0x86: {  	_ =	shalt  }
0x87: {  	_ =	shalt  }
.Lfunc_end0:
.L_simem_size_0:
called_computation_lowered:
.L_overlay_start_0:
0x88: {  	s2 =	sld [smem:$0x3FD9]  }
0x89: {  	s3 =	sld [smem:$0x3FFE];
	_ =	sdelay $0x1  }
0x8a: {  	s1 =	srdreg.scid  }
0x8b: {  	s0 =	sand.u32 $0x1, s1  }
0x8c: {  	s17 =	sshll.u32 s0, $0xA;
	s2 =	sadd.s32 s3, s2  }
0x8d: {  	s2 =	sadd.s32 s2, s17  }
0x8e: {  	[smem:$0x3FC0] =	sst s2  }
0x8f: {  	_ = 	snop  }
0x90: {  	s2 =	sld [smem:$0x3FD0];
	(tm) =	ssettm $0x1  }
0x91: {  	s18 =	sld [smem:$0x3FFB];
	_ =	sdelay $0x3  }
0x92: {  	_ =	strace s18  }
0x93: {  	s3 =	sld [smem:$0x3FFC];
	_ =	sdelay $0x3  }
0x94: {  	_ =	strace s3  }
0x95: {  	s3 =	sld [smem:$0x3FFD];
	_ =	sdelay $0x3  }
0x96: {  	_ =	strace s3  }
0x97: {  	_ =	strace $0x8FFFFFFF  }
0x98: {  	s19 =	sld [smem:$0x3FDB];
	_ =	sdelay $0x1  }
0x99: {  	s4 =	simm.s32 $_scs_section_size  }
0x9a: {  	s5 =	simm.s32 $_size__tile_overlayer_lowered;
	s6 =	simm.s32 $_tile_overlayer_lowered  }
0x9b: {  	s22 =	simm.s32 $0x1BFF;
	s21 =	sshll.u32 s6, $0x1;
	s3 =	sadd.s32 s4, s19  }
0x9c: {  	s7 =	simm.s32 $0x0;
	s20 =	sshll.u32 s5, $0x1;
	s5 =	sadd.s32 s21, s3  }
0x9d: {  	[timem:s7], [sflag:s22] =	dma.local [hbm:s5], s20  }
0x9e: {  	_ =	swait.ge [sflag:s22], s20  }
0x9f: {  	s4 =	ssub.s32 $0x0, s20;
	[sflag:s22] =	ssyncset.done $0x0  }
0xa0: {  	[sflag:s22] =	ssyncadd.s32 s4;
	_ =	sdelay $0x1  }
0xa1: {  	s23 =	simm.s32 $0x1B8B  }
0xa2: {  	_ =	swait.ge [sflag:s23], $0x1  }
0xa3: {  	[sflag:s23] =	ssyncset.done $0x0  }
0xa4: {  	s25 =	simm.s32 $0x1B8E;
	s24 =	sld [smem:$0x3FFE];
	[sflag:s23] =	ssyncadd.s32 $0xFFFFFFFF  }
0xa5: {  	s26 =	simm.s32 $execute0_lowered;
	[smem:$0x3FD2] =	sst s25  }
0xa6: {  	s5 =	sshll.u32 s26, $0x1;
	_ =	strace $0x80000046;
	[dreg:$0x1] =	wrdreg $0xFFFFFFFF  }
0xa7: {  	s28 =	simm.s32 $_size_execute0_lowered;
	s3 =	sadd.s32 s3, s5;
	[dreg:$0x0] =	wrdreg $0x0  }
0xa8: {  	s5 =	sshll.u32 s28, $0x1;
	[dreg:$0x2] =	wrdreg s3  }
0xa9: {  	[dreg:$0x3] =	wrdreg s5  }
0xaa: {  	[dreg:$0x4] =	wrdreg $0xC0  }
0xab: {  	_ =	task [dreg:s7], $0x5FFFF  }
0xac: {  	[dreg:$0x1] =	wrdreg $0xFFFFFFFF  }
0xad: {  	[dreg:$0x0] =	wrdreg $0x60  }
0xae: {  	[dreg:$0x2] =	wrdreg s24  }
0xaf: {  	[dreg:$0x3] =	wrdreg s2  }
0xb0: {  	[dreg:$0x4] =	wrdreg $0x30000  }
0xb1: {  	[dreg:$0x5] =	wrdreg $0x9  }
0xb2: {  	_ =	task.clear_ibuf [dreg:s7], $0x6FFFF;
	_ =	strace $0x90000046  }
0xb3: {  	s29 =	simm.s32 $0x9;
	_ =	strace $0x80000048  }
0xb4: {  	_ =	swait.ge [sflag:s29], $0x1  }
0xb5: {  	[sflag:s29] =	ssyncadd.s32 $0xFFFFFFFF  }
0xb6: {  	_ =	strace $0x90000048  }
0xb7: {  	_ =	sfence  }
0xb8: {  	s30 =	sld [smem:$0x0];
	_ =	sdelay $0x2  }
0xb9: {  	s31 =	sshll.u32 s1, $0xD;
	s1 =	sshrl.u32 s1, $0x2  }
0xba: {  	s3 =	sand.u32 $0x4000, s31;
	s1 =	sadd.s32 s1, s30  }
0xbb: {  	s0 =	sor.u32 s3, s0;
	s1 =	sshll.u32 s1, $0x11  }
0xbc: {  	s0 =	sor.u32 s1, s0  }
0xbd: {  	s0 =	sadd.s32 $0x8F2B, s0  }
0xbe: {  	[sflag:s0] =	ssyncadd.remote.s32 $0x1  }
0xbf: {  	_ =	sfence.sel $0xFFFF  }
0xc0: {  	[dreg:$0x0] =	wrdreg $0xFFFFFFFF;
	(pc) =	sbr.abs _section_cstart, $3  }
0xc1: {  	[dreg:$0x1] =	wrdreg $0xFFFFFFFF  }
0xc2: {  	_ =	task.clear_ibuf [dreg:s7], $0x2FFFF;
	_ =	strace $0x9FFFFFFF  }
0xc3: {  	(tm) =	ssettm $0x7FFFFFFF  }
tec
execute0_lowered:
.L_overlay_start_1:
0x0: {  	(tag) =	ssettag $0x1  }
0x1: {  	s5 =	rddreg [dreg:$0x0]  }
0x2: {  	s7 =	rddreg [dreg:$0x1]  }
0x3: {  	s0 =	srdreg.scid;
	s2 =	rddreg [dreg:$0x2]  }
0x4: {  	s3 =	simm.s32 $0x0;
	s13 =	simm.s32 $0x80;
	s14 =	simm.s32 $0x0  }
0x5: {  	s4 =	sand.u32 $0x1, s0;
	s0 =	stileid.u32;
	[smem:$0x7FF] =	sst s3  }
0x6: {  	s1 =	sshll.u32 s4, $0x4;
	s8 =	smul.u32 $0x2780, s0;
	s9 =	ssub.s32 $0x2, s4  }
0x7: {  	s10 =	smul.u32 $0x27800, s4;
	s4 =	sadd.s32 $0xC600, s5;
	s31 =	sshll.u32 s0, $0x6  }
0x8: {  	s6 =	sor.u32 s0, s1;
	s1 =	rddreg [dreg:$0x3];
	s11 =	sshrl.u32 s9, $0x1  }
0x9: {  	_ =	strace $0x80000047;
	s6 =	smul.u32 $0x500, s6;
	s9 =	ssub.s32 s9, s11  }
0xa: {  	s10 =	sadd.s32 s8, s10;
	s12 =	sadd.s32 s8, s2;
	s11 =	sor.u32 $0x1C01, s31  }
0xb: {  	s30 =	sshrl.u32 s10, $0x3;
	s8 =	smax.u32 s9, $0x1;
	s9 =	simm.s32 $0x1  }
0xc: {  	s10 =	simm.s32 $0x2800;
	s12 =	sshrl.u32 s12, $0x3;
	s6 =	sadd.s32 s6, s5  }
0xd: {  	s5 =	sadd.s32 $0xC000, s5;
	s7 =	sadd.s32 s7, s30;
	s6 =	sadd.s32 $0x2000, s6  }
.LBB2_1:
0xe: {  	[tilespmem:s3], [sflag:$0x1] =	stream.linear.gather [hbm4b:s6+s3], $0x2800, $0x38;
	[tilespmem:$0x5780] =	vst v63  }
0xf: {  	_ =	swait.ge [sflag:s9], $0x2800  }
0x10: {  	[sflag:s9] =	ssyncset.done $0x0  }
0x11: {  	[sflag:s9] =	ssyncadd.s32 $0xFFFFD800  }
0x12: {  	[tilespmem:s10], [sflag:$0x1] =	stream.linear.gather [hbm4b:s4+s3], $0x800, $0x38;
	[tilespmem:$0x5780] =	vst v63  }
0x13: {  	_ =	swait.ge [sflag:s9], $0x800  }
0x14: {  	[sflag:s9] =	ssyncset.done $0x0  }
0x15: {  	[sflag:s9] =	ssyncadd.s32 $0xFFFFF800  }
0x16: {  	[spmem:s12], [sflag:s11] =	dma.local [hbm:s5], $0x4F0  }
0x17: {  	_ =	swait.ge [sflag:s9], $0x4F0  }
0x18: {  	[sflag:s9] =	ssyncset.done $0x0  }
0x19: {  	[sflag:s9] =	ssyncadd.s32 $0xFFFFFB10  }
0x1a: {  	s15 =	simm.s32 $0x0;
	[bflag:$0x0] =	sbarrier.arrive $0xFFFF  }
0x1b: {  	[spmem:s2] =	stream.indirect.scatter.add.f32 [tilespmem:s10], [sflag:$0x1], $0x10, s15, s13, $0xb8;
	[tilespmem:$0x5780] =	vst v63  }
0x1c: {  	_ =	swait.ge [sflag:s9], $0x800  }
0x1d: {  	s15 =	simm.s32 $0x200;
	[sflag:s9] =	ssyncset.done $0x0  }
.LBB2_2:
0x1e: {  	s16 =	sshra.s32 s15, $0x2;
	[sflag:s9] =	ssyncadd.s32 $0xFFFFF800;
	p0 =	sne.s32 s15, $0x9E00  }
0x1f: {  	[spmem:s2] =	stream.indirect.scatter.add.f32 [tilespmem:s10], [sflag:$0x1], $0x10, s16, s13, $0xb8;
	[tilespmem:$0x5780] =	vst v63  }
.Ltmp0:
0x20: {  	_ = 	snop;
	(pc) =	sbr.rel @p0 .LBB2_2-.Ltmp0, $4  }
0x21: {  	_ = 	snop  }
0x22: {  	s15 =	sadd.s32 $0x200, s15  }
0x23: {  	_ =	swait.ge [sflag:s9], $0x800  }
0x24: {  	[sflag:s9] =	ssyncset.done $0x0  }
0x25: {  	s14 =	sadd.s32 $0x1, s14  }
0x26: {  	[sflag:s9] =	ssyncadd.s32 $0xFFFFF800;
	p0 =	sne.s32 s14, s8  }
.Ltmp1:
0x27: {  	[bflag:$0x0] =	sbarrier.arrive $0xFFFF;
	(pc) =	sbr.rel @p0 .LBB2_1-.Ltmp1, $4  }
0x28: {  	[hbm:s7], [sflag:s11] =	dma.local [spmem:s12], $0x4F0  }
0x29: {  	_ =	swait.ge [sflag:s9], $0x4F0  }
0x2a: {  	[sflag:s9] =	ssyncset.done $0x0  }
0x2b: {  	[sflag:s9] =	ssyncadd.s32 $0xFFFFFB10  }
0x2c: {  	_ =	sfence.sel $0x180000  }
0x2d: {  	[bflag:$0x0] =	sbarrier.arrive $0xFFFF  }
0x2e: {  	p0 =	sne.s32 s0, $0x0;
	_ =	strace $0x90000047  }
0x2f: {  	s0 =	sadd.s32 @!p0 $0x100000, s1;
	[bflag:$0x2] =	sbarrier.arrive $0xFFFF  }
0x30: {  	[sflag:s0] =	ssyncadd.tile.s32 @!p0 $0x1;
	_ =	shalt  }
.Lfunc_end2:
_tile_overlayer_lowered:
.L_overlay_start_2:
0x31: {  	(tag) =	ssettag $0x2  }
0x32: {  	s0 =	rddreg [dreg:$0x0];
	s2 =	stileid.u32  }
0x33: {  	s1 =	rddreg [dreg:$0x1];
	p0 =	sne.s32 s2, $0x0  }
0x34: {  	s3 =	rddreg [dreg:$0x2];
	[bflag:$0x3] =	sbarrier.arrive $0xFFFF;
	s2 =	simm.s32 @!p0 $0x1C01  }
0x35: {  	[timem:s3], [sflag:s2] =	dma.local @!p0 [hbm:s0], s1  }
0x36: {  	s0 =	simm.s32 @!p0 $0x1  }
0x37: {  	_ =	swait.ge @!p0 [sflag:s0], s1  }
0x38: {  	s1 =	ssub.s32 @!p0 $0x0, s1;
	[sflag:s0] =	ssyncset.done @!p0 $0x0  }
0x39: {  	[sflag:s0] =	ssyncadd.s32 @!p0 s1  }
0x3a: {  	[bflag:$0x3] =	sbarrier.arrive $0xFFFF  }
0x3b: {  	_ =	shalt  }

</sc_bundles>
